<compile_context>
chip_gen: v7x
topology: tpu7x:2x2x1
jax: 0.10.2.dev20260603
libtpu: 0.0.44.dev20260713+nightly
codegen_flags: <defaults>
</compile_context>

<pallas_src>
import functools

import jax
import jax.numpy as jnp
from jax import lax
from jax.experimental import pallas as pl
from jax.experimental.pallas import tpu as pltpu
from jax.experimental.pallas import tpu_sc as plsc

N = 10000
E = 320000
H = 128
DE = 16

NC = 2
NS = 16
NW = NC * NS
EPW = E // NW
CHUNK = 80
NCHUNK = EPW // CHUNK
NPS = N // NS
ZROWS = 125
assert NPS % ZROWS == 0


def _silu(v):
    return v * jax.nn.sigmoid(v)


def _tables_body(h_ref, w1a_ref, w1b_ref, b1_ref, tdst_ref, tsrc_ref):
    h = h_ref[...]
    tdst_ref[...] = jnp.dot(h, w1a_ref[...],
                            preferred_element_type=jnp.float32) + b1_ref[...]
    tsrc_ref[...] = jnp.dot(h, w1b_ref[...],
                            preferred_element_type=jnp.float32)


def _make_tables(h, w1a, w1b, b1):
    return pl.pallas_call(
        _tables_body,
        out_shape=(jax.ShapeDtypeStruct((N, H), jnp.float32),
                   jax.ShapeDtypeStruct((N, H), jnp.float32)),
    )(h, w1a, w1b, b1)


def _gather_body(tdh_ref, tsh_ref, x4f_ref, dsti_ref, srci_ref,
                 gdh_ref, gsh_ref, gxf_ref,
                 dstv, srcv, bufd, bufs, x4v, bx1, sem):
    wid = lax.axis_index("s") * NC + lax.axis_index("c")
    base = wid * EPW
    pltpu.sync_copy(dsti_ref.at[pl.ds(base, EPW)], dstv)
    pltpu.sync_copy(srci_ref.at[pl.ds(base, EPW)], srcv)
    pltpu.sync_copy(x4f_ref, x4v)

    lane4 = lax.iota(jnp.int32, 16) * 4

    def body(j, carry):
        off = j * CHUNK
        cd = pltpu.async_copy(tdh_ref.at[dstv.at[pl.ds(off, CHUNK)]], bufd, sem)
        cs = pltpu.async_copy(tsh_ref.at[srcv.at[pl.ds(off, CHUNK)]], bufs, sem)
        for g in range(CHUNK // 16):
            di = dstv[pl.ds(off + 16 * g, 16)]
            si = srcv[pl.ds(off + 16 * g, 16)]
            dsq = jnp.zeros((16,), jnp.float32)
            rels = []
            for c in range(3):
                xd = plsc.load_gather(x4v, [di * 4 + c])
                xs = plsc.load_gather(x4v, [si * 4 + c])
                r = xd - xs
                rels.append(r)
                dsq = dsq + r * r
            pos = lane4 + g * 64
            plsc.store_scatter(bx1, [pos], dsq)
            for c in range(3):
                plsc.store_scatter(bx1, [pos + (c + 1)], rels[c])
        cd.wait()
        cs.wait()
        pltpu.sync_copy(bufd, gdh_ref.at[pl.ds(base + off, CHUNK)])
        pltpu.sync_copy(bufs, gsh_ref.at[pl.ds(base + off, CHUNK)])
        pltpu.sync_copy(bx1, gxf_ref.at[pl.ds((base + off) * 4, CHUNK * 4)])
        return carry

    lax.fori_loop(0, NCHUNK, body, 0)


def _sc_gather(tdh, tsh, x4f, dsti, srci):
    mesh = plsc.VectorSubcoreMesh(core_axis_name="c", subcore_axis_name="s",
                                  num_cores=NC, num_subcores=NS)
    return pl.kernel(
        _gather_body,
        out_type=(jax.ShapeDtypeStruct((E, H), jnp.float32),
                  jax.ShapeDtypeStruct((E, H), jnp.float32),
                  jax.ShapeDtypeStruct((E * 4,), jnp.float32)),
        mesh=mesh,
        scratch_types=[
            pltpu.VMEM((EPW,), jnp.int32),
            pltpu.VMEM((EPW,), jnp.int32),
            pltpu.VMEM((CHUNK, H), jnp.float32),
            pltpu.VMEM((CHUNK, H), jnp.float32),
            pltpu.VMEM((N * 4,), jnp.float32),
            pltpu.VMEM((CHUNK * 4,), jnp.float32),
            pltpu.SemaphoreType.DMA,
        ],
        compiler_params=pltpu.CompilerParams(needs_layout_passes=False),
    )(tdh, tsh, x4f, dsti, srci)


def _edge_body(gdh_ref, gsh_ref, gx_ref, ea_ref, wef_ref, w2_ref, b2_ref,
               eiw_ref, eib_ref, xw1_ref, xb1_ref, xw2_ref,
               msc_ref, mdx_ref):
    pre = gdh_ref[...] + gsh_ref[...]
    gx = gx_ref[...]
    d_sq = gx[:, 0:1]
    rel = gx[:, 1:4]
    eb = pre.shape[0]
    ef = jnp.concatenate(
        [d_sq, ea_ref[...], jnp.zeros((eb, 7), jnp.float32)], axis=1)
    a1 = _silu(pre + jnp.dot(ef, wef_ref[...],
                             preferred_element_type=jnp.float32))
    mij = jnp.dot(a1, w2_ref[...], preferred_element_type=jnp.float32) \
        + b2_ref[...]
    eij = jax.nn.sigmoid(
        jnp.dot(mij, eiw_ref[...], preferred_element_type=jnp.float32)[:, :1]
        + eib_ref[0, 0])
    msc_ref[...] = mij * eij
    t = jnp.dot(_silu(jnp.dot(mij, xw1_ref[...],
                              preferred_element_type=jnp.float32)
                      + xb1_ref[...]),
                xw2_ref[...], preferred_element_type=jnp.float32)[:, :1]
    xg = jnp.tanh(t)
    scale = xg / (jnp.sqrt(d_sq + 1e-8) + 1.0)
    mdx_ref[...] = jnp.concatenate(
        [rel * scale, jnp.zeros((eb, 13), jnp.float32)], axis=1)


def _edge_mlp(gdh, gsh, gx, edge_attr, wef, w2, b2, eiw, eib, xw1, xb1, xw2):
    EB = 2000
    grid = (E // EB,)
    return pl.pallas_call(
        _edge_body,
        grid=grid,
        in_specs=[
            pl.BlockSpec((EB, H), lambda i: (i, 0)),
            pl.BlockSpec((EB, H), lambda i: (i, 0)),
            pl.BlockSpec((EB, 4), lambda i: (i, 0)),
            pl.BlockSpec((EB, DE), lambda i: (i, 0)),
            pl.BlockSpec((24, H), lambda i: (0, 0)),
            pl.BlockSpec((H, H), lambda i: (0, 0)),
            pl.BlockSpec((1, H), lambda i: (0, 0)),
            pl.BlockSpec((H, 8), lambda i: (0, 0)),
            pl.BlockSpec((1, 1), lambda i: (0, 0)),
            pl.BlockSpec((H, H), lambda i: (0, 0)),
            pl.BlockSpec((1, H), lambda i: (0, 0)),
            pl.BlockSpec((H, 8), lambda i: (0, 0)),
        ],
        out_specs=(pl.BlockSpec((EB, H), lambda i: (i, 0)),
                   pl.BlockSpec((EB, 16), lambda i: (i, 0))),
        out_shape=(jax.ShapeDtypeStruct((E, H), jnp.float32),
                   jax.ShapeDtypeStruct((E, 16), jnp.float32)),
    )(gdh, gsh, gx, edge_attr, wef, w2, b2, eiw, eib, xw1, xb1, xw2)


NP = 10240
HRANGE = NP // 2
TRASH = 128
RPS = HRANGE // NS
WB = 64
SEPW = E // NS
SNCHUNK = SEPW // CHUNK
NX = N * 4


def _scatter_body(msc_ref, mdxf_ref, dsti_ref, pm_ref, px_ref,
                  dstc, datm, datx1, idxm, zb, dxacc, accm):
    cid = lax.axis_index("c")
    sid = lax.axis_index("s")
    base = sid * SEPW
    lo = cid * HRANGE

    if True:
        def zrow(i, carry):
            for j in range(H // 16):
                zb[i, pl.ds(j * 16, 16)] = jnp.zeros((16,), jnp.float32)
            return carry

        lax.fori_loop(0, WB, zrow, 0)
        for r in range(RPS // WB):
            pltpu.sync_copy(zb, accm.at[pl.ds(sid * RPS + r * WB, WB)])

        @pl.when(cid == 0)
        def _():
            def zx(i, carry):
                dxacc[pl.ds(i * 16, 16)] = jnp.zeros((16,), jnp.float32)
                return carry

            lax.fori_loop(0, NX // 16, zx, 0)

        plsc.subcore_barrier()

        lane = lax.iota(jnp.int32, 16)
        lhi = lane >> 2
        llo = lane & 3

        def body(j, carry):
            pltpu.sync_copy(dsti_ref.at[pl.ds(base + j * CHUNK, CHUNK)], dstc)
            pltpu.sync_copy(msc_ref.at[pl.ds(base + j * CHUNK, CHUNK)], datm)
            for t in range(CHUNK // 16):
                iv = dstc[pl.ds(t * 16, 16)]
                ok = (iv >= lo) & (iv < lo + HRANGE)
                midx = jnp.where(ok, iv - lo, HRANGE + (iv & (TRASH - 1)))
                idxm[pl.ds(t * 16, 16)] = midx
            pltpu.sync_copy(datm, accm.at[idxm], add=True)

            @pl.when(cid == 0)
            def _():
                pltpu.sync_copy(
                    mdxf_ref.at[pl.ds((base + j * CHUNK) * 4, CHUNK * 4)],
                    datx1)
                for p in range(4):
                    for t in range(CHUNK // 16):
                        kv = p * (CHUNK // 4) + t * 4 + lhi
                        dv = plsc.load_gather(dstc, [kv])
                        val = datx1[pl.ds(p * CHUNK + t * 16, 16)]
                        plsc.addupdate_scatter(dxacc, [dv * 4 + llo], val)

            return carry

        lax.fori_loop(0, SNCHUNK, body, 0)
        plsc.subcore_barrier()

        for r in range(RPS // WB):
            rows = pl.ds(sid * RPS + r * WB, WB)
            pltpu.sync_copy(accm.at[rows], zb)
            pltpu.sync_copy(zb, pm_ref.at[cid, rows])

        @pl.when(cid == 0)
        def _():
            pltpu.sync_copy(dxacc, px_ref.at[sid])


def _sc_scatter(msc, mdxf, dsti):
    mesh = plsc.VectorSubcoreMesh(core_axis_name="c", subcore_axis_name="s",
                                  num_cores=NC, num_subcores=NS)
    return pl.kernel(
        _scatter_body,
        out_type=(jax.ShapeDtypeStruct((NC, HRANGE, H), jnp.float32),
                  jax.ShapeDtypeStruct((NS, NX), jnp.float32)),
        mesh=mesh,
        scratch_types=[
            pltpu.VMEM((CHUNK,), jnp.int32),
            pltpu.VMEM((CHUNK, H), jnp.float32),
            pltpu.VMEM((CHUNK * 4,), jnp.float32),
            pltpu.VMEM((CHUNK,), jnp.int32),
            pltpu.VMEM((WB, H), jnp.float32),
            pltpu.VMEM((NX,), jnp.float32),
            pltpu.VMEM_SHARED((HRANGE + TRASH, H), jnp.float32),
        ],
        compiler_params=pltpu.CompilerParams(needs_layout_passes=False),
    )(msc, mdxf, dsti)


def _node_body(pm_ref, h_ref, w1a_ref, w1b_ref, b1_ref, w2_ref,
               b2_ref, ho_ref):
    mi = pm_ref[...]
    h = h_ref[...]
    a = _silu(jnp.dot(mi, w1a_ref[...], preferred_element_type=jnp.float32)
              + jnp.dot(h, w1b_ref[...], preferred_element_type=jnp.float32)
              + b1_ref[...])
    ho_ref[...] = h + jnp.dot(a, w2_ref[...],
                              preferred_element_type=jnp.float32) + b2_ref[...]


def _node_mlp(pmr, h, w1a, w1b, b1, w2, b2):
    NB = 2000
    return pl.pallas_call(
        _node_body,
        grid=(N // NB,),
        in_specs=[
            pl.BlockSpec((NB, H), lambda i: (i, 0)),
            pl.BlockSpec((NB, H), lambda i: (i, 0)),
            pl.BlockSpec((H, H), lambda i: (0, 0)),
            pl.BlockSpec((H, H), lambda i: (0, 0)),
            pl.BlockSpec((1, H), lambda i: (0, 0)),
            pl.BlockSpec((H, H), lambda i: (0, 0)),
            pl.BlockSpec((1, H), lambda i: (0, 0)),
        ],
        out_specs=pl.BlockSpec((NB, H), lambda i: (i, 0)),
        out_shape=jax.ShapeDtypeStruct((N, H), jnp.float32),
    )(pmr, h, w1a, w1b, b1, w2, b2)


def _dx_sum_body(px_ref, dx_ref):
    dx_ref[...] = jnp.sum(px_ref[...], axis=0, keepdims=True)


def _dx_sum(px):
    return pl.pallas_call(
        _dx_sum_body,
        out_shape=jax.ShapeDtypeStruct((1, NX), jnp.float32),
    )(px)


def kernel(h, x, edge_index, edge_attr, em_w1, em_b1, em_w2, em_b2, ei_w,
           ei_b, xm_w1, xm_b1, xm_w2, nm_w1, nm_b1, nm_w2, nm_b2):
    x4 = jnp.pad(x, ((0, 0), (0, 1)))
    src = edge_index[0]
    dst = edge_index[1]

    w1a = em_w1[:H]
    w1b = em_w1[H:2 * H]
    wef = jnp.pad(em_w1[2 * H:], ((0, 7), (0, 0)))
    eiw = jnp.pad(ei_w, ((0, 0), (0, 7)))
    xw2 = jnp.pad(xm_w2, ((0, 0), (0, 7)))

    tdh, tsh = _make_tables(h, w1a, w1b, em_b1.reshape(1, H))
    gdh, gsh, gxf = _sc_gather(tdh, tsh, x4.reshape(-1), dst, src)
    gx = gxf.reshape(E, 4)
    msc, mdx = _edge_mlp(gdh, gsh, gx, edge_attr, wef, em_w2,
                         em_b2.reshape(1, H), eiw, ei_b.reshape(1, 1),
                         xm_w1, xm_b1.reshape(1, H), xw2)
    mdxf = mdx[:, :4].reshape(E * 4)
    pm, px = _sc_scatter(msc, mdxf, dst)
    ho = _node_mlp(pm.reshape(NP, H), h, nm_w1[:H], nm_w1[H:],
                   nm_b1.reshape(1, H), nm_w2, nm_b2.reshape(1, H))
    dx4 = _dx_sum(px)[0].reshape(N, 4)
    return (ho, x + dx4[:, :3])

# --- scband reference (transcript-rebuilt; emitter-appended) ---
"""Pipeline reference for scband-en-base-layer-55216099557801 (READ-ONLY COPY).

The authoritative reference and input builder live on the scoring server;
editing this copy changes nothing except your own understanding.
"""

import jax, jax.numpy as jnp
import numpy as np


def _silu(v):
    return v * jax.nn.sigmoid(v)


def setup_inputs(seed: int = 0) -> dict:
    key = jax.random.key(seed)
    ks = jax.random.split(key, 20)
    N, E, H, DE = 10000, 320000, 128, 16
    h = jax.random.normal(ks[0], (N, H), dtype=jnp.float32)
    x = jax.random.normal(ks[1], (N, 3), dtype=jnp.float32)
    edge_index = jax.random.randint(ks[2], (2, E), 0, N, dtype=jnp.int32)
    edge_attr = jax.random.normal(ks[3], (E, DE), dtype=jnp.float32)
    d_in = 2 * H + DE + 1  # 273
    def lin(k, fan_in, fan_out):
        return jax.random.normal(k, (fan_in, fan_out), dtype=jnp.float32) / np.sqrt(fan_in)
    params = {
        'em_w1': lin(ks[4], d_in, H), 'em_b1': jnp.zeros((H,), jnp.float32),
        'em_w2': lin(ks[5], H, H), 'em_b2': jnp.zeros((H,), jnp.float32),
        'ei_w': lin(ks[6], H, 1), 'ei_b': jnp.zeros((1,), jnp.float32),
        'xm_w1': lin(ks[7], H, H), 'xm_b1': jnp.zeros((H,), jnp.float32),
        'xm_w2': lin(ks[8], H, 1) * 0.001,
        'nm_w1': lin(ks[9], 2 * H, H), 'nm_b1': jnp.zeros((H,), jnp.float32),
        'nm_w2': lin(ks[10], H, H), 'nm_b2': jnp.zeros((H,), jnp.float32),
    }
    return dict(h=h, x=x, edge_index=edge_index, edge_attr=edge_attr, **params)


def reference(h, x, edge_index, edge_attr, em_w1, em_b1, em_w2, em_b2, ei_w, ei_b,
              xm_w1, xm_b1, xm_w2, nm_w1, nm_b1, nm_w2, nm_b2):
    N = h.shape[0]
    src = edge_index[0]
    dst = edge_index[1]
    hi = h[dst]
    hj = h[src]
    rel_x = x[dst] - x[src]
    d_sq = jnp.sum(rel_x ** 2, axis=-1, keepdims=True)
    edge_feat = jnp.concatenate([d_sq, edge_attr], axis=-1)
    em_in = jnp.concatenate([hi, hj, edge_feat], axis=-1)
    mij = _silu(em_in @ em_w1 + em_b1) @ em_w2 + em_b2
    eij = jax.nn.sigmoid(mij @ ei_w + ei_b)
    mi = jax.ops.segment_sum(mij * eij, dst, num_segments=N)
    h_out = h + (_silu(jnp.concatenate([mi, h], axis=-1) @ nm_w1 + nm_b1) @ nm_w2 + nm_b2)
    x_gate = jnp.tanh(_silu(mij @ xm_w1 + xm_b1) @ xm_w2)
    delta_x = jax.ops.segment_sum(rel_x / (jnp.sqrt(d_sq + 1e-08) + 1.0) * x_gate, dst, num_segments=N)
    x_out = x + delta_x
    return (h_out, x_out)

if __name__ == "__main__":
    import jax
    _d = setup_inputs()
    print(jax.jit(kernel)(*tuple(_d.values())))

</pallas_src>

<mosaic_0001>
#map = affine_map<(d0, d1) -> (0, 0)>
#map1 = affine_map<(d0, d1) -> (0)>
module attributes {stable_mosaic.version = 14 : i64} {
  func.func @_gather_body(%arg0: i32, %arg1: i32, %arg2: memref<10000x128xf32, #tpu.memory_space<hbm>>, %arg3: memref<10000x128xf32, #tpu.memory_space<hbm>>, %arg4: memref<40000xf32, #tpu.memory_space<hbm>>, %arg5: memref<320000xi32, #tpu.memory_space<hbm>>, %arg6: memref<320000xi32, #tpu.memory_space<hbm>>, %arg7: memref<320000x128xf32, #tpu.memory_space<hbm>>, %arg8: memref<320000x128xf32, #tpu.memory_space<hbm>>, %arg9: memref<1280000xf32, #tpu.memory_space<hbm>>, %arg10: memref<10000xi32, #tpu.memory_space<vmem>>, %arg11: memref<10000xi32, #tpu.memory_space<vmem>>, %arg12: memref<80x128xf32, #tpu.memory_space<vmem>>, %arg13: memref<80x128xf32, #tpu.memory_space<vmem>>, %arg14: memref<40000xf32, #tpu.memory_space<vmem>>, %arg15: memref<320xf32, #tpu.memory_space<vmem>>, %arg16: memref<!tpu.dma_semaphore, #tpu.memory_space<semaphore_mem>>) attributes {dimension_semantics = [#tpu.dimension_semantics<core_parallel>, #tpu.dimension_semantics<subcore_parallel>], iteration_bounds = array<i64: 2, 16>, scalar_prefetch = 0 : i64, scratch_operands = 7 : i64, tpu.core_type = #tpu.core_type<sc_vector_subcore>, window_params = [{transform_indices = #map}, {transform_indices = #map}, {transform_indices = #map1}, {transform_indices = #map1}, {transform_indices = #map1}, {transform_indices = #map}, {transform_indices = #map}, {transform_indices = #map1}]} {
    %mul3A = arith.constant 2 : i32
    %mul3A_0 = arith.muli %arg1, %mul3A : i32
    %add3A = arith.addi %mul3A_0, %arg0 : i32
    %mul3A_1 = arith.constant 10000 : i32
    %mul3A_2 = arith.muli %add3A, %mul3A_1 : i32
    "tpu.region"() ({
      %run_scoped3A = tpu.sem_alloc : memref<!tpu.dma_semaphore, #tpu.memory_space<semaphore_mem>>
      %dma_start3A = tpu.memref_slice %arg5[%mul3A_2] : memref<320000xi32, #tpu.memory_space<hbm>> -> memref<10000xi32, #tpu.memory_space<hbm>>
      %dma_start3A_11 = tpu.memref_slice %arg5[%mul3A_2] : memref<320000xi32, #tpu.memory_space<hbm>> -> memref<10000xi32, #tpu.memory_space<hbm>>
      tpu.enqueue_dma source(%dma_start3A_11 : memref<10000xi32, #tpu.memory_space<hbm>>) target(%arg10 : memref<10000xi32, #tpu.memory_space<vmem>>) target_semaphore(%run_scoped3A : memref<!tpu.dma_semaphore, #tpu.memory_space<semaphore_mem>>)
      %dma_wait3A = tpu.memref_slice %arg5[%mul3A_2] : memref<320000xi32, #tpu.memory_space<hbm>> -> memref<10000xi32, #tpu.memory_space<hbm>>
      %dma_wait3A_12 = tpu.memref_slice %arg5[%mul3A_2] : memref<320000xi32, #tpu.memory_space<hbm>> -> memref<10000xi32, #tpu.memory_space<hbm>>
      tpu.wait_dma2 semaphore(%run_scoped3A : memref<!tpu.dma_semaphore, #tpu.memory_space<semaphore_mem>>) src(%dma_wait3A_12 : memref<10000xi32, #tpu.memory_space<hbm>>) dst(%arg10 : memref<10000xi32, #tpu.memory_space<vmem>>)
      tpu.yield
    }) : () -> ()
    "tpu.region"() ({
      %run_scoped3A = tpu.sem_alloc : memref<!tpu.dma_semaphore, #tpu.memory_space<semaphore_mem>>
      %dma_start3A = tpu.memref_slice %arg6[%mul3A_2] : memref<320000xi32, #tpu.memory_space<hbm>> -> memref<10000xi32, #tpu.memory_space<hbm>>
      %dma_start3A_11 = tpu.memref_slice %arg6[%mul3A_2] : memref<320000xi32, #tpu.memory_space<hbm>> -> memref<10000xi32, #tpu.memory_space<hbm>>
      tpu.enqueue_dma source(%dma_start3A_11 : memref<10000xi32, #tpu.memory_space<hbm>>) target(%arg11 : memref<10000xi32, #tpu.memory_space<vmem>>) target_semaphore(%run_scoped3A : memref<!tpu.dma_semaphore, #tpu.memory_space<semaphore_mem>>)
      %dma_wait3A = tpu.memref_slice %arg6[%mul3A_2] : memref<320000xi32, #tpu.memory_space<hbm>> -> memref<10000xi32, #tpu.memory_space<hbm>>
      %dma_wait3A_12 = tpu.memref_slice %arg6[%mul3A_2] : memref<320000xi32, #tpu.memory_space<hbm>> -> memref<10000xi32, #tpu.memory_space<hbm>>
      tpu.wait_dma2 semaphore(%run_scoped3A : memref<!tpu.dma_semaphore, #tpu.memory_space<semaphore_mem>>) src(%dma_wait3A_12 : memref<10000xi32, #tpu.memory_space<hbm>>) dst(%arg11 : memref<10000xi32, #tpu.memory_space<vmem>>)
      tpu.yield
    }) : () -> ()
    "tpu.region"() ({
      %run_scoped3A = tpu.sem_alloc : memref<!tpu.dma_semaphore, #tpu.memory_space<semaphore_mem>>
      tpu.enqueue_dma source(%arg4 : memref<40000xf32, #tpu.memory_space<hbm>>) target(%arg14 : memref<40000xf32, #tpu.memory_space<vmem>>) target_semaphore(%run_scoped3A : memref<!tpu.dma_semaphore, #tpu.memory_space<semaphore_mem>>)
      tpu.wait_dma2 semaphore(%run_scoped3A : memref<!tpu.dma_semaphore, #tpu.memory_space<semaphore_mem>>) src(%arg4 : memref<40000xf32, #tpu.memory_space<hbm>>) dst(%arg14 : memref<40000xf32, #tpu.memory_space<vmem>>)
      tpu.yield
    }) : () -> ()
    %iota3A = tpu.iota {dimensions = array<i32: 0>} : vector<16xi32>
    %mul3A_3 = arith.constant 4 : i32
    %mul3A_4 = vector.broadcast %mul3A_3 : i32 to vector<16xi32>
    %mul3A_5 = arith.muli %iota3A, %mul3A_4 : vector<16xi32>
    %scan3A = arith.constant 0 : i32
    %scan3A_6 = arith.constant 0 : i32
    %scan3A_7 = arith.constant 125 : i32
    %scan3A_8 = arith.addi %scan3A_6, %scan3A_7 : i32
    %scan3A_9 = arith.constant 1 : i32
    scf.for %scan3A_11 = %scan3A_6 to %scan3A_8 step %scan3A_9  : i32 {
      %mul3A_12 = arith.constant 80 : i32
      %mul3A_13 = arith.muli %scan3A_11, %mul3A_12 : i32
      %dma_start3A = tpu.memref_slice %arg10[%mul3A_13] : memref<10000xi32, #tpu.memory_space<vmem>> -> memref<80xi32, #tpu.memory_space<vmem>>
      %dma_start3A_14 = arith.constant 0 : i32
      %dma_start3A_15 = arith.constant 0 : i32
      %dma_start3A_16 = tpu.memref_slice %arg2[%dma_start3A_14, %dma_start3A_15] : memref<10000x128xf32, #tpu.memory_space<hbm>> -> memref<10000x128xf32, #tpu.memory_space<hbm>>
      tpu.enqueue_indirect_dma source(%dma_start3A_16 : memref<10000x128xf32, #tpu.memory_space<hbm>>) target(%arg12 : memref<80x128xf32, #tpu.memory_space<vmem>>) offsets(%dma_start3A : memref<80xi32, #tpu.memory_space<vmem>>) semaphore(%arg16 : memref<!tpu.dma_semaphore, #tpu.memory_space<semaphore_mem>>)
      %dma_start3A_17 = tpu.memref_slice %arg11[%mul3A_13] : memref<10000xi32, #tpu.memory_space<vmem>> -> memref<80xi32, #tpu.memory_space<vmem>>
      %dma_start3A_18 = arith.constant 0 : i32
      %dma_start3A_19 = arith.constant 0 : i32
      %dma_start3A_20 = tpu.memref_slice %arg3[%dma_start3A_18, %dma_start3A_19] : memref<10000x128xf32, #tpu.memory_space<hbm>> -> memref<10000x128xf32, #tpu.memory_space<hbm>>
      tpu.enqueue_indirect_dma source(%dma_start3A_20 : memref<10000x128xf32, #tpu.memory_space<hbm>>) target(%arg13 : memref<80x128xf32, #tpu.memory_space<vmem>>) offsets(%dma_start3A_17 : memref<80xi32, #tpu.memory_space<vmem>>) semaphore(%arg16 : memref<!tpu.dma_semaphore, #tpu.memory_space<semaphore_mem>>)
      %add3A_21 = arith.constant 0 : i32
      %add3A_22 = arith.addi %mul3A_13, %add3A_21 : i32
      %get3A = arith.index_cast %add3A_22 : i32 to index
      %get3A_23 = tpu.vector_load %arg10[%get3A] {strides = array<i32>} : memref<10000xi32, #tpu.memory_space<vmem>>, vector<16xi32>,
      %add3A_24 = arith.constant 0 : i32
      %add3A_25 = arith.addi %mul3A_13, %add3A_24 : i32
      %get3A_26 = arith.index_cast %add3A_25 : i32 to index
      %get3A_27 = tpu.vector_load %arg11[%get3A_26] {strides = array<i32>} : memref<10000xi32, #tpu.memory_space<vmem>>, vector<16xi32>,
      %broadcast_in_dim3A = arith.constant 0.000000e+00 : f32
      %broadcast_in_dim3A_28 = vector.broadcast %broadcast_in_dim3A : f32 to vector<16xf32>
      %mul3A_29 = arith.constant 4 : i32
      %mul3A_30 = vector.broadcast %mul3A_29 : i32 to vector<16xi32>
      %mul3A_31 = arith.muli %get3A_23, %mul3A_30 : vector<16xi32>
      %add3A_32 = arith.constant 0 : i32
      %add3A_33 = vector.broadcast %add3A_32 : i32 to vector<16xi32>
      %add3A_34 = arith.addi %mul3A_31, %add3A_33 : vector<16xi32>
      %gather3A = tpu.vector_load_idx %arg14[%add3A_34] : memref<40000xf32, #tpu.memory_space<vmem>>[vector<16xi32>], vector<16xf32>,
      %mul3A_35 = arith.constant 4 : i32
      %mul3A_36 = vector.broadcast %mul3A_35 : i32 to vector<16xi32>
      %mul3A_37 = arith.muli %get3A_27, %mul3A_36 : vector<16xi32>
      %add3A_38 = arith.constant 0 : i32
      %add3A_39 = vector.broadcast %add3A_38 : i32 to vector<16xi32>
      %add3A_40 = arith.addi %mul3A_37, %add3A_39 : vector<16xi32>
      %gather3A_41 = tpu.vector_load_idx %arg14[%add3A_40] : memref<40000xf32, #tpu.memory_space<vmem>>[vector<16xi32>], vector<16xf32>,
      %sub3A = arith.subf %gather3A, %gather3A_41 : vector<16xf32>
      %mul3A_42 = arith.mulf %sub3A, %sub3A : vector<16xf32>
      %add3A_43 = arith.addf %broadcast_in_dim3A_28, %mul3A_42 : vector<16xf32>
      %mul3A_44 = arith.constant 4 : i32
      %mul3A_45 = vector.broadcast %mul3A_44 : i32 to vector<16xi32>
      %mul3A_46 = arith.muli %get3A_23, %mul3A_45 : vector<16xi32>
      %add3A_47 = arith.constant 1 : i32
      %add3A_48 = vector.broadcast %add3A_47 : i32 to vector<16xi32>
      %add3A_49 = arith.addi %mul3A_46, %add3A_48 : vector<16xi32>
      %gather3A_50 = tpu.vector_load_idx %arg14[%add3A_49] : memref<40000xf32, #tpu.memory_space<vmem>>[vector<16xi32>], vector<16xf32>,
      %mul3A_51 = arith.constant 4 : i32
      %mul3A_52 = vector.broadcast %mul3A_51 : i32 to vector<16xi32>
      %mul3A_53 = arith.muli %get3A_27, %mul3A_52 : vector<16xi32>
      %add3A_54 = arith.constant 1 : i32
      %add3A_55 = vector.broadcast %add3A_54 : i32 to vector<16xi32>
      %add3A_56 = arith.addi %mul3A_53, %add3A_55 : vector<16xi32>
      %gather3A_57 = tpu.vector_load_idx %arg14[%add3A_56] : memref<40000xf32, #tpu.memory_space<vmem>>[vector<16xi32>], vector<16xf32>,
      %sub3A_58 = arith.subf %gather3A_50, %gather3A_57 : vector<16xf32>
      %mul3A_59 = arith.mulf %sub3A_58, %sub3A_58 : vector<16xf32>
      %add3A_60 = arith.addf %add3A_43, %mul3A_59 : vector<16xf32>
      %mul3A_61 = arith.constant 4 : i32
      %mul3A_62 = vector.broadcast %mul3A_61 : i32 to vector<16xi32>
      %mul3A_63 = arith.muli %get3A_23, %mul3A_62 : vector<16xi32>
      %add3A_64 = arith.constant 2 : i32
      %add3A_65 = vector.broadcast %add3A_64 : i32 to vector<16xi32>
      %add3A_66 = arith.addi %mul3A_63, %add3A_65 : vector<16xi32>
      %gather3A_67 = tpu.vector_load_idx %arg14[%add3A_66] : memref<40000xf32, #tpu.memory_space<vmem>>[vector<16xi32>], vector<16xf32>,
      %mul3A_68 = arith.constant 4 : i32
      %mul3A_69 = vector.broadcast %mul3A_68 : i32 to vector<16xi32>
      %mul3A_70 = arith.muli %get3A_27, %mul3A_69 : vector<16xi32>
      %add3A_71 = arith.constant 2 : i32
      %add3A_72 = vector.broadcast %add3A_71 : i32 to vector<16xi32>
      %add3A_73 = arith.addi %mul3A_70, %add3A_72 : vector<16xi32>
      %gather3A_74 = tpu.vector_load_idx %arg14[%add3A_73] : memref<40000xf32, #tpu.memory_space<vmem>>[vector<16xi32>], vector<16xf32>,
      %sub3A_75 = arith.subf %gather3A_67, %gather3A_74 : vector<16xf32>
      %mul3A_76 = arith.mulf %sub3A_75, %sub3A_75 : vector<16xf32>
      %add3A_77 = arith.addf %add3A_60, %mul3A_76 : vector<16xf32>
      %add3A_78 = arith.constant 0 : i32
      %add3A_79 = vector.broadcast %add3A_78 : i32 to vector<16xi32>
      %add3A_80 = arith.addi %mul3A_5, %add3A_79 : vector<16xi32>
      tpu.vector_store_idx %arg15[%add3A_80], %add3A_77 : memref<320xf32, #tpu.memory_space<vmem>>[vector<16xi32>], vector<16xf32>,
      %add3A_81 = arith.constant 1 : i32
      %add3A_82 = vector.broadcast %add3A_81 : i32 to vector<16xi32>
      %add3A_83 = arith.addi %add3A_80, %add3A_82 : vector<16xi32>
      tpu.vector_store_idx %arg15[%add3A_83], %sub3A : memref<320xf32, #tpu.memory_space<vmem>>[vector<16xi32>], vector<16xf32>,
      %add3A_84 = arith.constant 2 : i32
      %add3A_85 = vector.broadcast %add3A_84 : i32 to vector<16xi32>
      %add3A_86 = arith.addi %add3A_80, %add3A_85 : vector<16xi32>
      tpu.vector_store_idx %arg15[%add3A_86], %sub3A_58 : memref<320xf32, #tpu.memory_space<vmem>>[vector<16xi32>], vector<16xf32>,
      %add3A_87 = arith.constant 3 : i32
      %add3A_88 = vector.broadcast %add3A_87 : i32 to vector<16xi32>
      %add3A_89 = arith.addi %add3A_80, %add3A_88 : vector<16xi32>
      tpu.vector_store_idx %arg15[%add3A_89], %sub3A_75 : memref<320xf32, #tpu.memory_space<vmem>>[vector<16xi32>], vector<16xf32>,
      %add3A_90 = arith.constant 16 : i32
      %add3A_91 = arith.addi %mul3A_13, %add3A_90 : i32
      %get3A_92 = arith.index_cast %add3A_91 : i32 to index
      %get3A_93 = tpu.vector_load %arg10[%get3A_92] {strides = array<i32>} : memref<10000xi32, #tpu.memory_space<vmem>>, vector<16xi32>,
      %add3A_94 = arith.constant 16 : i32
      %add3A_95 = arith.addi %mul3A_13, %add3A_94 : i32
      %get3A_96 = arith.index_cast %add3A_95 : i32 to index
      %get3A_97 = tpu.vector_load %arg11[%get3A_96] {strides = array<i32>} : memref<10000xi32, #tpu.memory_space<vmem>>, vector<16xi32>,
      %broadcast_in_dim3A_98 = arith.constant 0.000000e+00 : f32
      %broadcast_in_dim3A_99 = vector.broadcast %broadcast_in_dim3A_98 : f32 to vector<16xf32>
      %mul3A_100 = arith.constant 4 : i32
      %mul3A_101 = vector.broadcast %mul3A_100 : i32 to vector<16xi32>
      %mul3A_102 = arith.muli %get3A_93, %mul3A_101 : vector<16xi32>
      %add3A_103 = arith.constant 0 : i32
      %add3A_104 = vector.broadcast %add3A_103 : i32 to vector<16xi32>
      %add3A_105 = arith.addi %mul3A_102, %add3A_104 : vector<16xi32>
      %gather3A_106 = tpu.vector_load_idx %arg14[%add3A_105] : memref<40000xf32, #tpu.memory_space<vmem>>[vector<16xi32>], vector<16xf32>,
      %mul3A_107 = arith.constant 4 : i32
      %mul3A_108 = vector.broadcast %mul3A_107 : i32 to vector<16xi32>
      %mul3A_109 = arith.muli %get3A_97, %mul3A_108 : vector<16xi32>
      %add3A_110 = arith.constant 0 : i32
      %add3A_111 = vector.broadcast %add3A_110 : i32 to vector<16xi32>
      %add3A_112 = arith.addi %mul3A_109, %add3A_111 : vector<16xi32>
      %gather3A_113 = tpu.vector_load_idx %arg14[%add3A_112] : memref<40000xf32, #tpu.memory_space<vmem>>[vector<16xi32>], vector<16xf32>,
      %sub3A_114 = arith.subf %gather3A_106, %gather3A_113 : vector<16xf32>
      %mul3A_115 = arith.mulf %sub3A_114, %sub3A_114 : vector<16xf32>
      %add3A_116 = arith.addf %broadcast_in_dim3A_99, %mul3A_115 : vector<16xf32>
      %mul3A_117 = arith.constant 4 : i32
      %mul3A_118 = vector.broadcast %mul3A_117 : i32 to vector<16xi32>
      %mul3A_119 = arith.muli %get3A_93, %mul3A_118 : vector<16xi32>
      %add3A_120 = arith.constant 1 : i32
      %add3A_121 = vector.broadcast %add3A_120 : i32 to vector<16xi32>
      %add3A_122 = arith.addi %mul3A_119, %add3A_121 : vector<16xi32>
      %gather3A_123 = tpu.vector_load_idx %arg14[%add3A_122] : memref<40000xf32, #tpu.memory_space<vmem>>[vector<16xi32>], vector<16xf32>,
      %mul3A_124 = arith.constant 4 : i32
      %mul3A_125 = vector.broadcast %mul3A_124 : i32 to vector<16xi32>
      %mul3A_126 = arith.muli %get3A_97, %mul3A_125 : vector<16xi32>
      %add3A_127 = arith.constant 1 : i32
      %add3A_128 = vector.broadcast %add3A_127 : i32 to vector<16xi32>
      %add3A_129 = arith.addi %mul3A_126, %add3A_128 : vector<16xi32>
      %gather3A_130 = tpu.vector_load_idx %arg14[%add3A_129] : memref<40000xf32, #tpu.memory_space<vmem>>[vector<16xi32>], vector<16xf32>,
      %sub3A_131 = arith.subf %gather3A_123, %gather3A_130 : vector<16xf32>
      %mul3A_132 = arith.mulf %sub3A_131, %sub3A_131 : vector<16xf32>
      %add3A_133 = arith.addf %add3A_116, %mul3A_132 : vector<16xf32>
      %mul3A_134 = arith.constant 4 : i32
      %mul3A_135 = vector.broadcast %mul3A_134 : i32 to vector<16xi32>
      %mul3A_136 = arith.muli %get3A_93, %mul3A_135 : vector<16xi32>
      %add3A_137 = arith.constant 2 : i32
      %add3A_138 = vector.broadcast %add3A_137 : i32 to vector<16xi32>
      %add3A_139 = arith.addi %mul3A_136, %add3A_138 : vector<16xi32>
      %gather3A_140 = tpu.vector_load_idx %arg14[%add3A_139] : memref<40000xf32, #tpu.memory_space<vmem>>[vector<16xi32>], vector<16xf32>,
      %mul3A_141 = arith.constant 4 : i32
      %mul3A_142 = vector.broadcast %mul3A_141 : i32 to vector<16xi32>
      %mul3A_143 = arith.muli %get3A_97, %mul3A_142 : vector<16xi32>
      %add3A_144 = arith.constant 2 : i32
      %add3A_145 = vector.broadcast %add3A_144 : i32 to vector<16xi32>
      %add3A_146 = arith.addi %mul3A_143, %add3A_145 : vector<16xi32>
      %gather3A_147 = tpu.vector_load_idx %arg14[%add3A_146] : memref<40000xf32, #tpu.memory_space<vmem>>[vector<16xi32>], vector<16xf32>,
      %sub3A_148 = arith.subf %gather3A_140, %gather3A_147 : vector<16xf32>
      %mul3A_149 = arith.mulf %sub3A_148, %sub3A_148 : vector<16xf32>
      %add3A_150 = arith.addf %add3A_133, %mul3A_149 : vector<16xf32>
      %add3A_151 = arith.constant 64 : i32
      %add3A_152 = vector.broadcast %add3A_151 : i32 to vector<16xi32>
      %add3A_153 = arith.addi %mul3A_5, %add3A_152 : vector<16xi32>
      tpu.vector_store_idx %arg15[%add3A_153], %add3A_150 : memref<320xf32, #tpu.memory_space<vmem>>[vector<16xi32>], vector<16xf32>,
      %add3A_154 = arith.constant 1 : i32
      %add3A_155 = vector.broadcast %add3A_154 : i32 to vector<16xi32>
      %add3A_156 = arith.addi %add3A_153, %add3A_155 : vector<16xi32>
      tpu.vector_store_idx %arg15[%add3A_156], %sub3A_114 : memref<320xf32, #tpu.memory_space<vmem>>[vector<16xi32>], vector<16xf32>,
      %add3A_157 = arith.constant 2 : i32
      %add3A_158 = vector.broadcast %add3A_157 : i32 to vector<16xi32>
      %add3A_159 = arith.addi %add3A_153, %add3A_158 : vector<16xi32>
      tpu.vector_store_idx %arg15[%add3A_159], %sub3A_131 : memref<320xf32, #tpu.memory_space<vmem>>[vector<16xi32>], vector<16xf32>,
      %add3A_160 = arith.constant 3 : i32
      %add3A_161 = vector.broadcast %add3A_160 : i32 to vector<16xi32>
      %add3A_162 = arith.addi %add3A_153, %add3A_161 : vector<16xi32>
      tpu.vector_store_idx %arg15[%add3A_162], %sub3A_148 : memref<320xf32, #tpu.memory_space<vmem>>[vector<16xi32>], vector<16xf32>,
      %add3A_163 = arith.constant 32 : i32
      %add3A_164 = arith.addi %mul3A_13, %add3A_163 : i32
      %get3A_165 = arith.index_cast %add3A_164 : i32 to index
      %get3A_166 = tpu.vector_load %arg10[%get3A_165] {strides = array<i32>} : memref<10000xi32, #tpu.memory_space<vmem>>, vector<16xi32>,
      %add3A_167 = arith.constant 32 : i32
      %add3A_168 = arith.addi %mul3A_13, %add3A_167 : i32
      %get3A_169 = arith.index_cast %add3A_168 : i32 to index
      %get3A_170 = tpu.vector_load %arg11[%get3A_169] {strides = array<i32>} : memref<10000xi32, #tpu.memory_space<vmem>>, vector<16xi32>,
      %broadcast_in_dim3A_171 = arith.constant 0.000000e+00 : f32
      %broadcast_in_dim3A_172 = vector.broadcast %broadcast_in_dim3A_171 : f32 to vector<16xf32>
      %mul3A_173 = arith.constant 4 : i32
      %mul3A_174 = vector.broadcast %mul3A_173 : i32 to vector<16xi32>
      %mul3A_175 = arith.muli %get3A_166, %mul3A_174 : vector<16xi32>
      %add3A_176 = arith.constant 0 : i32
      %add3A_177 = vector.broadcast %add3A_176 : i32 to vector<16xi32>
      %add3A_178 = arith.addi %mul3A_175, %add3A_177 : vector<16xi32>
      %gather3A_179 = tpu.vector_load_idx %arg14[%add3A_178] : memref<40000xf32, #tpu.memory_space<vmem>>[vector<16xi32>], vector<16xf32>,
      %mul3A_180 = arith.constant 4 : i32
      %mul3A_181 = vector.broadcast %mul3A_180 : i32 to vector<16xi32>
      %mul3A_182 = arith.muli %get3A_170, %mul3A_181 : vector<16xi32>
      %add3A_183 = arith.constant 0 : i32
      %add3A_184 = vector.broadcast %add3A_183 : i32 to vector<16xi32>
      %add3A_185 = arith.addi %mul3A_182, %add3A_184 : vector<16xi32>
      %gather3A_186 = tpu.vector_load_idx %arg14[%add3A_185] : memref<40000xf32, #tpu.memory_space<vmem>>[vector<16xi32>], vector<16xf32>,
      %sub3A_187 = arith.subf %gather3A_179, %gather3A_186 : vector<16xf32>
      %mul3A_188 = arith.mulf %sub3A_187, %sub3A_187 : vector<16xf32>
      %add3A_189 = arith.addf %broadcast_in_dim3A_172, %mul3A_188 : vector<16xf32>
      %mul3A_190 = arith.constant 4 : i32
      %mul3A_191 = vector.broadcast %mul3A_190 : i32 to vector<16xi32>
      %mul3A_192 = arith.muli %get3A_166, %mul3A_191 : vector<16xi32>
      %add3A_193 = arith.constant 1 : i32
      %add3A_194 = vector.broadcast %add3A_193 : i32 to vector<16xi32>
      %add3A_195 = arith.addi %mul3A_192, %add3A_194 : vector<16xi32>
      %gather3A_196 = tpu.vector_load_idx %arg14[%add3A_195] : memref<40000xf32, #tpu.memory_space<vmem>>[vector<16xi32>], vector<16xf32>,
      %mul3A_197 = arith.constant 4 : i32
      %mul3A_198 = vector.broadcast %mul3A_197 : i32 to vector<16xi32>
      %mul3A_199 = arith.muli %get3A_170, %mul3A_198 : vector<16xi32>
      %add3A_200 = arith.constant 1 : i32
      %add3A_201 = vector.broadcast %add3A_200 : i32 to vector<16xi32>
      %add3A_202 = arith.addi %mul3A_199, %add3A_201 : vector<16xi32>
      %gather3A_203 = tpu.vector_load_idx %arg14[%add3A_202] : memref<40000xf32, #tpu.memory_space<vmem>>[vector<16xi32>], vector<16xf32>,
      %sub3A_204 = arith.subf %gather3A_196, %gather3A_203 : vector<16xf32>
      %mul3A_205 = arith.mulf %sub3A_204, %sub3A_204 : vector<16xf32>
      %add3A_206 = arith.addf %add3A_189, %mul3A_205 : vector<16xf32>
      %mul3A_207 = arith.constant 4 : i32
      %mul3A_208 = vector.broadcast %mul3A_207 : i32 to vector<16xi32>
      %mul3A_209 = arith.muli %get3A_166, %mul3A_208 : vector<16xi32>
      %add3A_210 = arith.constant 2 : i32
      %add3A_211 = vector.broadcast %add3A_210 : i32 to vector<16xi32>
      %add3A_212 = arith.addi %mul3A_209, %add3A_211 : vector<16xi32>
      %gather3A_213 = tpu.vector_load_idx %arg14[%add3A_212] : memref<40000xf32, #tpu.memory_space<vmem>>[vector<16xi32>], vector<16xf32>,
      %mul3A_214 = arith.constant 4 : i32
      %mul3A_215 = vector.broadcast %mul3A_214 : i32 to vector<16xi32>
      %mul3A_216 = arith.muli %get3A_170, %mul3A_215 : vector<16xi32>
      %add3A_217 = arith.constant 2 : i32
      %add3A_218 = vector.broadcast %add3A_217 : i32 to vector<16xi32>
      %add3A_219 = arith.addi %mul3A_216, %add3A_218 : vector<16xi32>
      %gather3A_220 = tpu.vector_load_idx %arg14[%add3A_219] : memref<40000xf32, #tpu.memory_space<vmem>>[vector<16xi32>], vector<16xf32>,
      %sub3A_221 = arith.subf %gather3A_213, %gather3A_220 : vector<16xf32>
      %mul3A_222 = arith.mulf %sub3A_221, %sub3A_221 : vector<16xf32>
      %add3A_223 = arith.addf %add3A_206, %mul3A_222 : vector<16xf32>
      %add3A_224 = arith.constant 128 : i32
      %add3A_225 = vector.broadcast %add3A_224 : i32 to vector<16xi32>
      %add3A_226 = arith.addi %mul3A_5, %add3A_225 : vector<16xi32>
      tpu.vector_store_idx %arg15[%add3A_226], %add3A_223 : memref<320xf32, #tpu.memory_space<vmem>>[vector<16xi32>], vector<16xf32>,
      %add3A_227 = arith.constant 1 : i32
      %add3A_228 = vector.broadcast %add3A_227 : i32 to vector<16xi32>
      %add3A_229 = arith.addi %add3A_226, %add3A_228 : vector<16xi32>
      tpu.vector_store_idx %arg15[%add3A_229], %sub3A_187 : memref<320xf32, #tpu.memory_space<vmem>>[vector<16xi32>], vector<16xf32>,
      %add3A_230 = arith.constant 2 : i32
      %add3A_231 = vector.broadcast %add3A_230 : i32 to vector<16xi32>
      %add3A_232 = arith.addi %add3A_226, %add3A_231 : vector<16xi32>
      tpu.vector_store_idx %arg15[%add3A_232], %sub3A_204 : memref<320xf32, #tpu.memory_space<vmem>>[vector<16xi32>], vector<16xf32>,
      %add3A_233 = arith.constant 3 : i32
      %add3A_234 = vector.broadcast %add3A_233 : i32 to vector<16xi32>
      %add3A_235 = arith.addi %add3A_226, %add3A_234 : vector<16xi32>
      tpu.vector_store_idx %arg15[%add3A_235], %sub3A_221 : memref<320xf32, #tpu.memory_space<vmem>>[vector<16xi32>], vector<16xf32>,
      %add3A_236 = arith.constant 48 : i32
      %add3A_237 = arith.addi %mul3A_13, %add3A_236 : i32
      %get3A_238 = arith.index_cast %add3A_237 : i32 to index
      %get3A_239 = tpu.vector_load %arg10[%get3A_238] {strides = array<i32>} : memref<10000xi32, #tpu.memory_space<vmem>>, vector<16xi32>,
      %add3A_240 = arith.constant 48 : i32
      %add3A_241 = arith.addi %mul3A_13, %add3A_240 : i32
      %get3A_242 = arith.index_cast %add3A_241 : i32 to index
      %get3A_243 = tpu.vector_load %arg11[%get3A_242] {strides = array<i32>} : memref<10000xi32, #tpu.memory_space<vmem>>, vector<16xi32>,
      %broadcast_in_dim3A_244 = arith.constant 0.000000e+00 : f32
      %broadcast_in_dim3A_245 = vector.broadcast %broadcast_in_dim3A_244 : f32 to vector<16xf32>
      %mul3A_246 = arith.constant 4 : i32
      %mul3A_247 = vector.broadcast %mul3A_246 : i32 to vector<16xi32>
      %mul3A_248 = arith.muli %get3A_239, %mul3A_247 : vector<16xi32>
      %add3A_249 = arith.constant 0 : i32
      %add3A_250 = vector.broadcast %add3A_249 : i32 to vector<16xi32>
      %add3A_251 = arith.addi %mul3A_248, %add3A_250 : vector<16xi32>
      %gather3A_252 = tpu.vector_load_idx %arg14[%add3A_251] : memref<40000xf32, #tpu.memory_space<vmem>>[vector<16xi32>], vector<16xf32>,
      %mul3A_253 = arith.constant 4 : i32
      %mul3A_254 = vector.broadcast %mul3A_253 : i32 to vector<16xi32>
      %mul3A_255 = arith.muli %get3A_243, %mul3A_254 : vector<16xi32>
      %add3A_256 = arith.constant 0 : i32
      %add3A_257 = vector.broadcast %add3A_256 : i32 to vector<16xi32>
      %add3A_258 = arith.addi %mul3A_255, %add3A_257 : vector<16xi32>
      %gather3A_259 = tpu.vector_load_idx %arg14[%add3A_258] : memref<40000xf32, #tpu.memory_space<vmem>>[vector<16xi32>], vector<16xf32>,
      %sub3A_260 = arith.subf %gather3A_252, %gather3A_259 : vector<16xf32>
      %mul3A_261 = arith.mulf %sub3A_260, %sub3A_260 : vector<16xf32>
      %add3A_262 = arith.addf %broadcast_in_dim3A_245, %mul3A_261 : vector<16xf32>
      %mul3A_263 = arith.constant 4 : i32
      %mul3A_264 = vector.broadcast %mul3A_263 : i32 to vector<16xi32>
      %mul3A_265 = arith.muli %get3A_239, %mul3A_264 : vector<16xi32>
      %add3A_266 = arith.constant 1 : i32
      %add3A_267 = vector.broadcast %add3A_266 : i32 to vector<16xi32>
      %add3A_268 = arith.addi %mul3A_265, %add3A_267 : vector<16xi32>
      %gather3A_269 = tpu.vector_load_idx %arg14[%add3A_268] : memref<40000xf32, #tpu.memory_space<vmem>>[vector<16xi32>], vector<16xf32>,
      %mul3A_270 = arith.constant 4 : i32
      %mul3A_271 = vector.broadcast %mul3A_270 : i32 to vector<16xi32>
      %mul3A_272 = arith.muli %get3A_243, %mul3A_271 : vector<16xi32>
      %add3A_273 = arith.constant 1 : i32
      %add3A_274 = vector.broadcast %add3A_273 : i32 to vector<16xi32>
      %add3A_275 = arith.addi %mul3A_272, %add3A_274 : vector<16xi32>
      %gather3A_276 = tpu.vector_load_idx %arg14[%add3A_275] : memref<40000xf32, #tpu.memory_space<vmem>>[vector<16xi32>], vector<16xf32>,
      %sub3A_277 = arith.subf %gather3A_269, %gather3A_276 : vector<16xf32>
      %mul3A_278 = arith.mulf %sub3A_277, %sub3A_277 : vector<16xf32>
      %add3A_279 = arith.addf %add3A_262, %mul3A_278 : vector<16xf32>
      %mul3A_280 = arith.constant 4 : i32
      %mul3A_281 = vector.broadcast %mul3A_280 : i32 to vector<16xi32>
      %mul3A_282 = arith.muli %get3A_239, %mul3A_281 : vector<16xi32>
      %add3A_283 = arith.constant 2 : i32
      %add3A_284 = vector.broadcast %add3A_283 : i32 to vector<16xi32>
      %add3A_285 = arith.addi %mul3A_282, %add3A_284 : vector<16xi32>
      %gather3A_286 = tpu.vector_load_idx %arg14[%add3A_285] : memref<40000xf32, #tpu.memory_space<vmem>>[vector<16xi32>], vector<16xf32>,
      %mul3A_287 = arith.constant 4 : i32
      %mul3A_288 = vector.broadcast %mul3A_287 : i32 to vector<16xi32>
      %mul3A_289 = arith.muli %get3A_243, %mul3A_288 : vector<16xi32>
      %add3A_290 = arith.constant 2 : i32
      %add3A_291 = vector.broadcast %add3A_290 : i32 to vector<16xi32>
      %add3A_292 = arith.addi %mul3A_289, %add3A_291 : vector<16xi32>
      %gather3A_293 = tpu.vector_load_idx %arg14[%add3A_292] : memref<40000xf32, #tpu.memory_space<vmem>>[vector<16xi32>], vector<16xf32>,
      %sub3A_294 = arith.subf %gather3A_286, %gather3A_293 : vector<16xf32>
      %mul3A_295 = arith.mulf %sub3A_294, %sub3A_294 : vector<16xf32>
      %add3A_296 = arith.addf %add3A_279, %mul3A_295 : vector<16xf32>
      %add3A_297 = arith.constant 192 : i32
      %add3A_298 = vector.broadcast %add3A_297 : i32 to vector<16xi32>
      %add3A_299 = arith.addi %mul3A_5, %add3A_298 : vector<16xi32>
      tpu.vector_store_idx %arg15[%add3A_299], %add3A_296 : memref<320xf32, #tpu.memory_space<vmem>>[vector<16xi32>], vector<16xf32>,
      %add3A_300 = arith.constant 1 : i32
      %add3A_301 = vector.broadcast %add3A_300 : i32 to vector<16xi32>
      %add3A_302 = arith.addi %add3A_299, %add3A_301 : vector<16xi32>
      tpu.vector_store_idx %arg15[%add3A_302], %sub3A_260 : memref<320xf32, #tpu.memory_space<vmem>>[vector<16xi32>], vector<16xf32>,
      %add3A_303 = arith.constant 2 : i32
      %add3A_304 = vector.broadcast %add3A_303 : i32 to vector<16xi32>
      %add3A_305 = arith.addi %add3A_299, %add3A_304 : vector<16xi32>
      tpu.vector_store_idx %arg15[%add3A_305], %sub3A_277 : memref<320xf32, #tpu.memory_space<vmem>>[vector<16xi32>], vector<16xf32>,
      %add3A_306 = arith.constant 3 : i32
      %add3A_307 = vector.broadcast %add3A_306 : i32 to vector<16xi32>
      %add3A_308 = arith.addi %add3A_299, %add3A_307 : vector<16xi32>
      tpu.vector_store_idx %arg15[%add3A_308], %sub3A_294 : memref<320xf32, #tpu.memory_space<vmem>>[vector<16xi32>], vector<16xf32>,
      %add3A_309 = arith.constant 64 : i32
      %add3A_310 = arith.addi %mul3A_13, %add3A_309 : i32
      %get3A_311 = arith.index_cast %add3A_310 : i32 to index
      %get3A_312 = tpu.vector_load %arg10[%get3A_311] {strides = array<i32>} : memref<10000xi32, #tpu.memory_space<vmem>>, vector<16xi32>,
      %add3A_313 = arith.constant 64 : i32
      %add3A_314 = arith.addi %mul3A_13, %add3A_313 : i32
      %get3A_315 = arith.index_cast %add3A_314 : i32 to index
      %get3A_316 = tpu.vector_load %arg11[%get3A_315] {strides = array<i32>} : memref<10000xi32, #tpu.memory_space<vmem>>, vector<16xi32>,
      %broadcast_in_dim3A_317 = arith.constant 0.000000e+00 : f32
      %broadcast_in_dim3A_318 = vector.broadcast %broadcast_in_dim3A_317 : f32 to vector<16xf32>
      %mul3A_319 = arith.constant 4 : i32
      %mul3A_320 = vector.broadcast %mul3A_319 : i32 to vector<16xi32>
      %mul3A_321 = arith.muli %get3A_312, %mul3A_320 : vector<16xi32>
      %add3A_322 = arith.constant 0 : i32
      %add3A_323 = vector.broadcast %add3A_322 : i32 to vector<16xi32>
      %add3A_324 = arith.addi %mul3A_321, %add3A_323 : vector<16xi32>
      %gather3A_325 = tpu.vector_load_idx %arg14[%add3A_324] : memref<40000xf32, #tpu.memory_space<vmem>>[vector<16xi32>], vector<16xf32>,
      %mul3A_326 = arith.constant 4 : i32
      %mul3A_327 = vector.broadcast %mul3A_326 : i32 to vector<16xi32>
      %mul3A_328 = arith.muli %get3A_316, %mul3A_327 : vector<16xi32>
      %add3A_329 = arith.constant 0 : i32
      %add3A_330 = vector.broadcast %add3A_329 : i32 to vector<16xi32>
      %add3A_331 = arith.addi %mul3A_328, %add3A_330 : vector<16xi32>
      %gather3A_332 = tpu.vector_load_idx %arg14[%add3A_331] : memref<40000xf32, #tpu.memory_space<vmem>>[vector<16xi32>], vector<16xf32>,
      %sub3A_333 = arith.subf %gather3A_325, %gather3A_332 : vector<16xf32>
      %mul3A_334 = arith.mulf %sub3A_333, %sub3A_333 : vector<16xf32>
      %add3A_335 = arith.addf %broadcast_in_dim3A_318, %mul3A_334 : vector<16xf32>
      %mul3A_336 = arith.constant 4 : i32
      %mul3A_337 = vector.broadcast %mul3A_336 : i32 to vector<16xi32>
      %mul3A_338 = arith.muli %get3A_312, %mul3A_337 : vector<16xi32>
      %add3A_339 = arith.constant 1 : i32
      %add3A_340 = vector.broadcast %add3A_339 : i32 to vector<16xi32>
      %add3A_341 = arith.addi %mul3A_338, %add3A_340 : vector<16xi32>
      %gather3A_342 = tpu.vector_load_idx %arg14[%add3A_341] : memref<40000xf32, #tpu.memory_space<vmem>>[vector<16xi32>], vector<16xf32>,
      %mul3A_343 = arith.constant 4 : i32
      %mul3A_344 = vector.broadcast %mul3A_343 : i32 to vector<16xi32>
      %mul3A_345 = arith.muli %get3A_316, %mul3A_344 : vector<16xi32>
      %add3A_346 = arith.constant 1 : i32
      %add3A_347 = vector.broadcast %add3A_346 : i32 to vector<16xi32>
      %add3A_348 = arith.addi %mul3A_345, %add3A_347 : vector<16xi32>
      %gather3A_349 = tpu.vector_load_idx %arg14[%add3A_348] : memref<40000xf32, #tpu.memory_space<vmem>>[vector<16xi32>], vector<16xf32>,
      %sub3A_350 = arith.subf %gather3A_342, %gather3A_349 : vector<16xf32>
      %mul3A_351 = arith.mulf %sub3A_350, %sub3A_350 : vector<16xf32>
      %add3A_352 = arith.addf %add3A_335, %mul3A_351 : vector<16xf32>
      %mul3A_353 = arith.constant 4 : i32
      %mul3A_354 = vector.broadcast %mul3A_353 : i32 to vector<16xi32>
      %mul3A_355 = arith.muli %get3A_312, %mul3A_354 : vector<16xi32>
      %add3A_356 = arith.constant 2 : i32
      %add3A_357 = vector.broadcast %add3A_356 : i32 to vector<16xi32>
      %add3A_358 = arith.addi %mul3A_355, %add3A_357 : vector<16xi32>
      %gather3A_359 = tpu.vector_load_idx %arg14[%add3A_358] : memref<40000xf32, #tpu.memory_space<vmem>>[vector<16xi32>], vector<16xf32>,
      %mul3A_360 = arith.constant 4 : i32
      %mul3A_361 = vector.broadcast %mul3A_360 : i32 to vector<16xi32>
      %mul3A_362 = arith.muli %get3A_316, %mul3A_361 : vector<16xi32>
      %add3A_363 = arith.constant 2 : i32
      %add3A_364 = vector.broadcast %add3A_363 : i32 to vector<16xi32>
      %add3A_365 = arith.addi %mul3A_362, %add3A_364 : vector<16xi32>
      %gather3A_366 = tpu.vector_load_idx %arg14[%add3A_365] : memref<40000xf32, #tpu.memory_space<vmem>>[vector<16xi32>], vector<16xf32>,
      %sub3A_367 = arith.subf %gather3A_359, %gather3A_366 : vector<16xf32>
      %mul3A_368 = arith.mulf %sub3A_367, %sub3A_367 : vector<16xf32>
      %add3A_369 = arith.addf %add3A_352, %mul3A_368 : vector<16xf32>
      %add3A_370 = arith.constant 256 : i32
      %add3A_371 = vector.broadcast %add3A_370 : i32 to vector<16xi32>
      %add3A_372 = arith.addi %mul3A_5, %add3A_371 : vector<16xi32>
      tpu.vector_store_idx %arg15[%add3A_372], %add3A_369 : memref<320xf32, #tpu.memory_space<vmem>>[vector<16xi32>], vector<16xf32>,
      %add3A_373 = arith.constant 1 : i32
      %add3A_374 = vector.broadcast %add3A_373 : i32 to vector<16xi32>
      %add3A_375 = arith.addi %add3A_372, %add3A_374 : vector<16xi32>
      tpu.vector_store_idx %arg15[%add3A_375], %sub3A_333 : memref<320xf32, #tpu.memory_space<vmem>>[vector<16xi32>], vector<16xf32>,
      %add3A_376 = arith.constant 2 : i32
      %add3A_377 = vector.broadcast %add3A_376 : i32 to vector<16xi32>
      %add3A_378 = arith.addi %add3A_372, %add3A_377 : vector<16xi32>
      tpu.vector_store_idx %arg15[%add3A_378], %sub3A_350 : memref<320xf32, #tpu.memory_space<vmem>>[vector<16xi32>], vector<16xf32>,
      %add3A_379 = arith.constant 3 : i32
      %add3A_380 = vector.broadcast %add3A_379 : i32 to vector<16xi32>
      %add3A_381 = arith.addi %add3A_372, %add3A_380 : vector<16xi32>
      tpu.vector_store_idx %arg15[%add3A_381], %sub3A_367 : memref<320xf32, #tpu.memory_space<vmem>>[vector<16xi32>], vector<16xf32>,
      %dma_wait3A = tpu.memref_slice %arg10[%mul3A_13] : memref<10000xi32, #tpu.memory_space<vmem>> -> memref<80xi32, #tpu.memory_space<vmem>>
      %dma_wait3A_382 = arith.constant 0 : i32
      %dma_wait3A_383 = arith.constant 0 : i32
      %dma_wait3A_384 = tpu.memref_slice %arg2[%dma_wait3A_382, %dma_wait3A_383] : memref<10000x128xf32, #tpu.memory_space<hbm>> -> memref<10000x128xf32, #tpu.memory_space<hbm>>
      tpu.wait_indirect_dma semaphore(%arg16 : memref<!tpu.dma_semaphore, #tpu.memory_space<semaphore_mem>>) src(%dma_wait3A_384 : memref<10000x128xf32, #tpu.memory_space<hbm>>) dst(%arg12 : memref<80x128xf32, #tpu.memory_space<vmem>>)
      %dma_wait3A_385 = tpu.memref_slice %arg11[%mul3A_13] : memref<10000xi32, #tpu.memory_space<vmem>> -> memref<80xi32, #tpu.memory_space<vmem>>
      %dma_wait3A_386 = arith.constant 0 : i32
      %dma_wait3A_387 = arith.constant 0 : i32
      %dma_wait3A_388 = tpu.memref_slice %arg3[%dma_wait3A_386, %dma_wait3A_387] : memref<10000x128xf32, #tpu.memory_space<hbm>> -> memref<10000x128xf32, #tpu.memory_space<hbm>>
      tpu.wait_indirect_dma semaphore(%arg16 : memref<!tpu.dma_semaphore, #tpu.memory_space<semaphore_mem>>) src(%dma_wait3A_388 : memref<10000x128xf32, #tpu.memory_space<hbm>>) dst(%arg13 : memref<80x128xf32, #tpu.memory_space<vmem>>)
      %add3A_389 = arith.addi %mul3A_2, %mul3A_13 : i32
      "tpu.region"() ({
        %run_scoped3A = tpu.sem_alloc : memref<!tpu.dma_semaphore, #tpu.memory_space<semaphore_mem>>
        %dma_start3A_394 = arith.constant 0 : i32
        %dma_start3A_395 = tpu.memref_slice %arg7[%add3A_389, %dma_start3A_394] : memref<320000x128xf32, #tpu.memory_space<hbm>> -> memref<80x128xf32, #tpu.memory_space<hbm>>
        %dma_start3A_396 = arith.constant 0 : i32
        %dma_start3A_397 = tpu.memref_slice %arg7[%add3A_389, %dma_start3A_396] : memref<320000x128xf32, #tpu.memory_space<hbm>> -> memref<80x128xf32, #tpu.memory_space<hbm>>
        tpu.enqueue_dma source(%arg12 : memref<80x128xf32, #tpu.memory_space<vmem>>) target(%dma_start3A_397 : memref<80x128xf32, #tpu.memory_space<hbm>>) target_semaphore(%run_scoped3A : memref<!tpu.dma_semaphore, #tpu.memory_space<semaphore_mem>>)
        %dma_wait3A_398 = arith.constant 0 : i32
        %dma_wait3A_399 = tpu.memref_slice %arg7[%add3A_389, %dma_wait3A_398] : memref<320000x128xf32, #tpu.memory_space<hbm>> -> memref<80x128xf32, #tpu.memory_space<hbm>>
        %dma_wait3A_400 = arith.constant 0 : i32
        %dma_wait3A_401 = tpu.memref_slice %arg7[%add3A_389, %dma_wait3A_400] : memref<320000x128xf32, #tpu.memory_space<hbm>> -> memref<80x128xf32, #tpu.memory_space<hbm>>
        tpu.wait_dma2 semaphore(%run_scoped3A : memref<!tpu.dma_semaphore, #tpu.memory_space<semaphore_mem>>) src(%arg12 : memref<80x128xf32, #tpu.memory_space<vmem>>) dst(%dma_wait3A_401 : memref<80x128xf32, #tpu.memory_space<hbm>>)
        tpu.yield
      }) : () -> ()
      %add3A_390 = arith.addi %mul3A_2, %mul3A_13 : i32
      "tpu.region"() ({
        %run_scoped3A = tpu.sem_alloc : memref<!tpu.dma_semaphore, #tpu.memory_space<semaphore_mem>>
        %dma_start3A_394 = arith.constant 0 : i32
        %dma_start3A_395 = tpu.memref_slice %arg8[%add3A_390, %dma_start3A_394] : memref<320000x128xf32, #tpu.memory_space<hbm>> -> memref<80x128xf32, #tpu.memory_space<hbm>>
        %dma_start3A_396 = arith.constant 0 : i32
        %dma_start3A_397 = tpu.memref_slice %arg8[%add3A_390, %dma_start3A_396] : memref<320000x128xf32, #tpu.memory_space<hbm>> -> memref<80x128xf32, #tpu.memory_space<hbm>>
        tpu.enqueue_dma source(%arg13 : memref<80x128xf32, #tpu.memory_space<vmem>>) target(%dma_start3A_397 : memref<80x128xf32, #tpu.memory_space<hbm>>) target_semaphore(%run_scoped3A : memref<!tpu.dma_semaphore, #tpu.memory_space<semaphore_mem>>)
        %dma_wait3A_398 = arith.constant 0 : i32
        %dma_wait3A_399 = tpu.memref_slice %arg8[%add3A_390, %dma_wait3A_398] : memref<320000x128xf32, #tpu.memory_space<hbm>> -> memref<80x128xf32, #tpu.memory_space<hbm>>
        %dma_wait3A_400 = arith.constant 0 : i32
        %dma_wait3A_401 = tpu.memref_slice %arg8[%add3A_390, %dma_wait3A_400] : memref<320000x128xf32, #tpu.memory_space<hbm>> -> memref<80x128xf32, #tpu.memory_space<hbm>>
        tpu.wait_dma2 semaphore(%run_scoped3A : memref<!tpu.dma_semaphore, #tpu.memory_space<semaphore_mem>>) src(%arg13 : memref<80x128xf32, #tpu.memory_space<vmem>>) dst(%dma_wait3A_401 : memref<80x128xf32, #tpu.memory_space<hbm>>)
        tpu.yield
      }) : () -> ()
      %add3A_391 = arith.addi %mul3A_2, %mul3A_13 : i32
      %mul3A_392 = arith.constant 4 : i32
      %mul3A_393 = arith.muli %add3A_391, %mul3A_392 : i32
      "tpu.region"() ({
        %run_scoped3A = tpu.sem_alloc : memref<!tpu.dma_semaphore, #tpu.memory_space<semaphore_mem>>
        %dma_start3A_394 = tpu.memref_slice %arg9[%mul3A_393] : memref<1280000xf32, #tpu.memory_space<hbm>> -> memref<320xf32, #tpu.memory_space<hbm>>
        %dma_start3A_395 = tpu.memref_slice %arg9[%mul3A_393] : memref<1280000xf32, #tpu.memory_space<hbm>> -> memref<320xf32, #tpu.memory_space<hbm>>
        tpu.enqueue_dma source(%arg15 : memref<320xf32, #tpu.memory_space<vmem>>) target(%dma_start3A_395 : memref<320xf32, #tpu.memory_space<hbm>>) target_semaphore(%run_scoped3A : memref<!tpu.dma_semaphore, #tpu.memory_space<semaphore_mem>>)
        %dma_wait3A_396 = tpu.memref_slice %arg9[%mul3A_393] : memref<1280000xf32, #tpu.memory_space<hbm>> -> memref<320xf32, #tpu.memory_space<hbm>>
        %dma_wait3A_397 = tpu.memref_slice %arg9[%mul3A_393] : memref<1280000xf32, #tpu.memory_space<hbm>> -> memref<320xf32, #tpu.memory_space<hbm>>
        tpu.wait_dma2 semaphore(%run_scoped3A : memref<!tpu.dma_semaphore, #tpu.memory_space<semaphore_mem>>) src(%arg15 : memref<320xf32, #tpu.memory_space<vmem>>) dst(%dma_wait3A_397 : memref<320xf32, #tpu.memory_space<hbm>>)
        tpu.yield
      }) : () -> ()
    }
    %scan3A_10 = arith.constant 125 : i32
    return
  }
}

#map = affine_map<(d0, d1) -> (0, 0)>
#map1 = affine_map<(d0, d1) -> (0)>
#map2 = affine_map<(d0, d1) -> (0, 0, 0)>
module attributes {stable_mosaic.version = 14 : i64} {
  func.func @_scatter_body(%arg0: i32, %arg1: i32, %arg2: memref<320000x128xf32, #tpu.memory_space<hbm>>, %arg3: memref<1280000xf32, #tpu.memory_space<hbm>>, %arg4: memref<320000xi32, #tpu.memory_space<hbm>>, %arg5: memref<2x5120x128xf32, #tpu.memory_space<hbm>>, %arg6: memref<16x40000xf32, #tpu.memory_space<hbm>>, %arg7: memref<80xi32, #tpu.memory_space<vmem>>, %arg8: memref<80x128xf32, #tpu.memory_space<vmem>>, %arg9: memref<320xf32, #tpu.memory_space<vmem>>, %arg10: memref<80xi32, #tpu.memory_space<vmem>>, %arg11: memref<64x128xf32, #tpu.memory_space<vmem>>, %arg12: memref<40000xf32, #tpu.memory_space<vmem>>, %arg13: memref<5248x128xf32, #tpu.memory_space<vmem_shared>>) attributes {dimension_semantics = [#tpu.dimension_semantics<core_parallel>, #tpu.dimension_semantics<subcore_parallel>], iteration_bounds = array<i64: 2, 16>, scalar_prefetch = 0 : i64, scratch_operands = 7 : i64, tpu.core_type = #tpu.core_type<sc_vector_subcore>, window_params = [{transform_indices = #map}, {transform_indices = #map1}, {transform_indices = #map1}, {transform_indices = #map2}, {transform_indices = #map}]} {
    %mul3A = arith.constant 20000 : i32
    %mul3A_0 = arith.muli %arg1, %mul3A : i32
    %mul3A_1 = arith.constant 5120 : i32
    %mul3A_2 = arith.muli %arg0, %mul3A_1 : i32
    %scan3A = arith.constant 0 : i32
    %scan3A_3 = arith.constant 0 : i32
    %scan3A_4 = arith.constant 64 : i32
    %scan3A_5 = arith.addi %scan3A_3, %scan3A_4 : i32
    %scan3A_6 = arith.constant 1 : i32
    scf.for %scan3A_65 = %scan3A_3 to %scan3A_5 step %scan3A_6  : i32 {
      %broadcast_in_dim3A = arith.constant 0.000000e+00 : f32
      %broadcast_in_dim3A_66 = vector.broadcast %broadcast_in_dim3A : f32 to vector<16xf32>
      %swap3A = arith.index_cast %scan3A_65 : i32 to index
      %swap3A_67 = arith.constant 0 : index
      %swap3A_68 = tpu.vector_load %arg11[%swap3A, %swap3A_67] {strides = array<i32>} : memref<64x128xf32, #tpu.memory_space<vmem>>, vector<16xf32>,
      tpu.vector_store %arg11[%swap3A, %swap3A_67], %broadcast_in_dim3A_66 {strides = array<i32>} : memref<64x128xf32, #tpu.memory_space<vmem>>, vector<16xf32>,
      %broadcast_in_dim3A_69 = arith.constant 0.000000e+00 : f32
      %broadcast_in_dim3A_70 = vector.broadcast %broadcast_in_dim3A_69 : f32 to vector<16xf32>
      %swap3A_71 = arith.index_cast %scan3A_65 : i32 to index
      %swap3A_72 = arith.constant 16 : index
      %swap3A_73 = tpu.vector_load %arg11[%swap3A_71, %swap3A_72] {strides = array<i32>} : memref<64x128xf32, #tpu.memory_space<vmem>>, vector<16xf32>,
      tpu.vector_store %arg11[%swap3A_71, %swap3A_72], %broadcast_in_dim3A_70 {strides = array<i32>} : memref<64x128xf32, #tpu.memory_space<vmem>>, vector<16xf32>,
      %broadcast_in_dim3A_74 = arith.constant 0.000000e+00 : f32
      %broadcast_in_dim3A_75 = vector.broadcast %broadcast_in_dim3A_74 : f32 to vector<16xf32>
      %swap3A_76 = arith.index_cast %scan3A_65 : i32 to index
      %swap3A_77 = arith.constant 32 : index
      %swap3A_78 = tpu.vector_load %arg11[%swap3A_76, %swap3A_77] {strides = array<i32>} : memref<64x128xf32, #tpu.memory_space<vmem>>, vector<16xf32>,
      tpu.vector_store %arg11[%swap3A_76, %swap3A_77], %broadcast_in_dim3A_75 {strides = array<i32>} : memref<64x128xf32, #tpu.memory_space<vmem>>, vector<16xf32>,
      %broadcast_in_dim3A_79 = arith.constant 0.000000e+00 : f32
      %broadcast_in_dim3A_80 = vector.broadcast %broadcast_in_dim3A_79 : f32 to vector<16xf32>
      %swap3A_81 = arith.index_cast %scan3A_65 : i32 to index
      %swap3A_82 = arith.constant 48 : index
      %swap3A_83 = tpu.vector_load %arg11[%swap3A_81, %swap3A_82] {strides = array<i32>} : memref<64x128xf32, #tpu.memory_space<vmem>>, vector<16xf32>,
      tpu.vector_store %arg11[%swap3A_81, %swap3A_82], %broadcast_in_dim3A_80 {strides = array<i32>} : memref<64x128xf32, #tpu.memory_space<vmem>>, vector<16xf32>,
      %broadcast_in_dim3A_84 = arith.constant 0.000000e+00 : f32
      %broadcast_in_dim3A_85 = vector.broadcast %broadcast_in_dim3A_84 : f32 to vector<16xf32>
      %swap3A_86 = arith.index_cast %scan3A_65 : i32 to index
      %swap3A_87 = arith.constant 64 : index
      %swap3A_88 = tpu.vector_load %arg11[%swap3A_86, %swap3A_87] {strides = array<i32>} : memref<64x128xf32, #tpu.memory_space<vmem>>, vector<16xf32>,
      tpu.vector_store %arg11[%swap3A_86, %swap3A_87], %broadcast_in_dim3A_85 {strides = array<i32>} : memref<64x128xf32, #tpu.memory_space<vmem>>, vector<16xf32>,
      %broadcast_in_dim3A_89 = arith.constant 0.000000e+00 : f32
      %broadcast_in_dim3A_90 = vector.broadcast %broadcast_in_dim3A_89 : f32 to vector<16xf32>
      %swap3A_91 = arith.index_cast %scan3A_65 : i32 to index
      %swap3A_92 = arith.constant 80 : index
      %swap3A_93 = tpu.vector_load %arg11[%swap3A_91, %swap3A_92] {strides = array<i32>} : memref<64x128xf32, #tpu.memory_space<vmem>>, vector<16xf32>,
      tpu.vector_store %arg11[%swap3A_91, %swap3A_92], %broadcast_in_dim3A_90 {strides = array<i32>} : memref<64x128xf32, #tpu.memory_space<vmem>>, vector<16xf32>,
      %broadcast_in_dim3A_94 = arith.constant 0.000000e+00 : f32
      %broadcast_in_dim3A_95 = vector.broadcast %broadcast_in_dim3A_94 : f32 to vector<16xf32>
      %swap3A_96 = arith.index_cast %scan3A_65 : i32 to index
      %swap3A_97 = arith.constant 96 : index
      %swap3A_98 = tpu.vector_load %arg11[%swap3A_96, %swap3A_97] {strides = array<i32>} : memref<64x128xf32, #tpu.memory_space<vmem>>, vector<16xf32>,
      tpu.vector_store %arg11[%swap3A_96, %swap3A_97], %broadcast_in_dim3A_95 {strides = array<i32>} : memref<64x128xf32, #tpu.memory_space<vmem>>, vector<16xf32>,
      %broadcast_in_dim3A_99 = arith.constant 0.000000e+00 : f32
      %broadcast_in_dim3A_100 = vector.broadcast %broadcast_in_dim3A_99 : f32 to vector<16xf32>
      %swap3A_101 = arith.index_cast %scan3A_65 : i32 to index
      %swap3A_102 = arith.constant 112 : index
      %swap3A_103 = tpu.vector_load %arg11[%swap3A_101, %swap3A_102] {strides = array<i32>} : memref<64x128xf32, #tpu.memory_space<vmem>>, vector<16xf32>,
      tpu.vector_store %arg11[%swap3A_101, %swap3A_102], %broadcast_in_dim3A_100 {strides = array<i32>} : memref<64x128xf32, #tpu.memory_space<vmem>>, vector<16xf32>,
    }
    %scan3A_7 = arith.constant 64 : i32
    %mul3A_8 = arith.constant 320 : i32
    %mul3A_9 = arith.muli %arg1, %mul3A_8 : i32
    %add3A = arith.constant 0 : i32
    %add3A_10 = arith.addi %mul3A_9, %add3A : i32
    "tpu.region"() ({
      %run_scoped3A = tpu.sem_alloc : memref<!tpu.dma_semaphore, #tpu.memory_space<semaphore_mem>>
      %dma_start3A = arith.constant 0 : i32
      %dma_start3A_65 = tpu.memref_slice %arg13[%add3A_10, %dma_start3A] : memref<5248x128xf32, #tpu.memory_space<vmem_shared>> -> memref<64x128xf32, #tpu.memory_space<vmem_shared>>
      %dma_start3A_66 = arith.constant 0 : i32
      %dma_start3A_67 = tpu.memref_slice %arg13[%add3A_10, %dma_start3A_66] : memref<5248x128xf32, #tpu.memory_space<vmem_shared>> -> memref<64x128xf32, #tpu.memory_space<vmem_shared>>
      tpu.enqueue_dma source(%arg11 : memref<64x128xf32, #tpu.memory_space<vmem>>) target(%dma_start3A_67 : memref<64x128xf32, #tpu.memory_space<vmem_shared>>) target_semaphore(%run_scoped3A : memref<!tpu.dma_semaphore, #tpu.memory_space<semaphore_mem>>)
      %dma_wait3A = arith.constant 0 : i32
      %dma_wait3A_68 = tpu.memref_slice %arg13[%add3A_10, %dma_wait3A] : memref<5248x128xf32, #tpu.memory_space<vmem_shared>> -> memref<64x128xf32, #tpu.memory_space<vmem_shared>>
      %dma_wait3A_69 = arith.constant 0 : i32
      %dma_wait3A_70 = tpu.memref_slice %arg13[%add3A_10, %dma_wait3A_69] : memref<5248x128xf32, #tpu.memory_space<vmem_shared>> -> memref<64x128xf32, #tpu.memory_space<vmem_shared>>
      tpu.wait_dma2 semaphore(%run_scoped3A : memref<!tpu.dma_semaphore, #tpu.memory_space<semaphore_mem>>) src(%arg11 : memref<64x128xf32, #tpu.memory_space<vmem>>) dst(%dma_wait3A_70 : memref<64x128xf32, #tpu.memory_space<vmem_shared>>)
      tpu.yield
    }) : () -> ()
    %mul3A_11 = arith.constant 320 : i32
    %mul3A_12 = arith.muli %arg1, %mul3A_11 : i32
    %add3A_13 = arith.constant 64 : i32
    %add3A_14 = arith.addi %mul3A_12, %add3A_13 : i32
    "tpu.region"() ({
      %run_scoped3A = tpu.sem_alloc : memref<!tpu.dma_semaphore, #tpu.memory_space<semaphore_mem>>
      %dma_start3A = arith.constant 0 : i32
      %dma_start3A_65 = tpu.memref_slice %arg13[%add3A_14, %dma_start3A] : memref<5248x128xf32, #tpu.memory_space<vmem_shared>> -> memref<64x128xf32, #tpu.memory_space<vmem_shared>>
      %dma_start3A_66 = arith.constant 0 : i32
      %dma_start3A_67 = tpu.memref_slice %arg13[%add3A_14, %dma_start3A_66] : memref<5248x128xf32, #tpu.memory_space<vmem_shared>> -> memref<64x128xf32, #tpu.memory_space<vmem_shared>>
      tpu.enqueue_dma source(%arg11 : memref<64x128xf32, #tpu.memory_space<vmem>>) target(%dma_start3A_67 : memref<64x128xf32, #tpu.memory_space<vmem_shared>>) target_semaphore(%run_scoped3A : memref<!tpu.dma_semaphore, #tpu.memory_space<semaphore_mem>>)
      %dma_wait3A = arith.constant 0 : i32
      %dma_wait3A_68 = tpu.memref_slice %arg13[%add3A_14, %dma_wait3A] : memref<5248x128xf32, #tpu.memory_space<vmem_shared>> -> memref<64x128xf32, #tpu.memory_space<vmem_shared>>
      %dma_wait3A_69 = arith.constant 0 : i32
      %dma_wait3A_70 = tpu.memref_slice %arg13[%add3A_14, %dma_wait3A_69] : memref<5248x128xf32, #tpu.memory_space<vmem_shared>> -> memref<64x128xf32, #tpu.memory_space<vmem_shared>>
      tpu.wait_dma2 semaphore(%run_scoped3A : memref<!tpu.dma_semaphore, #tpu.memory_space<semaphore_mem>>) src(%arg11 : memref<64x128xf32, #tpu.memory_space<vmem>>) dst(%dma_wait3A_70 : memref<64x128xf32, #tpu.memory_space<vmem_shared>>)
      tpu.yield
    }) : () -> ()
    %mul3A_15 = arith.constant 320 : i32
    %mul3A_16 = arith.muli %arg1, %mul3A_15 : i32
    %add3A_17 = arith.constant 128 : i32
    %add3A_18 = arith.addi %mul3A_16, %add3A_17 : i32
    "tpu.region"() ({
      %run_scoped3A = tpu.sem_alloc : memref<!tpu.dma_semaphore, #tpu.memory_space<semaphore_mem>>
      %dma_start3A = arith.constant 0 : i32
      %dma_start3A_65 = tpu.memref_slice %arg13[%add3A_18, %dma_start3A] : memref<5248x128xf32, #tpu.memory_space<vmem_shared>> -> memref<64x128xf32, #tpu.memory_space<vmem_shared>>
      %dma_start3A_66 = arith.constant 0 : i32
      %dma_start3A_67 = tpu.memref_slice %arg13[%add3A_18, %dma_start3A_66] : memref<5248x128xf32, #tpu.memory_space<vmem_shared>> -> memref<64x128xf32, #tpu.memory_space<vmem_shared>>
      tpu.enqueue_dma source(%arg11 : memref<64x128xf32, #tpu.memory_space<vmem>>) target(%dma_start3A_67 : memref<64x128xf32, #tpu.memory_space<vmem_shared>>) target_semaphore(%run_scoped3A : memref<!tpu.dma_semaphore, #tpu.memory_space<semaphore_mem>>)
      %dma_wait3A = arith.constant 0 : i32
      %dma_wait3A_68 = tpu.memref_slice %arg13[%add3A_18, %dma_wait3A] : memref<5248x128xf32, #tpu.memory_space<vmem_shared>> -> memref<64x128xf32, #tpu.memory_space<vmem_shared>>
      %dma_wait3A_69 = arith.constant 0 : i32
      %dma_wait3A_70 = tpu.memref_slice %arg13[%add3A_18, %dma_wait3A_69] : memref<5248x128xf32, #tpu.memory_space<vmem_shared>> -> memref<64x128xf32, #tpu.memory_space<vmem_shared>>
      tpu.wait_dma2 semaphore(%run_scoped3A : memref<!tpu.dma_semaphore, #tpu.memory_space<semaphore_mem>>) src(%arg11 : memref<64x128xf32, #tpu.memory_space<vmem>>) dst(%dma_wait3A_70 : memref<64x128xf32, #tpu.memory_space<vmem_shared>>)
      tpu.yield
    }) : () -> ()
    %mul3A_19 = arith.constant 320 : i32
    %mul3A_20 = arith.muli %arg1, %mul3A_19 : i32
    %add3A_21 = arith.constant 192 : i32
    %add3A_22 = arith.addi %mul3A_20, %add3A_21 : i32
    "tpu.region"() ({
      %run_scoped3A = tpu.sem_alloc : memref<!tpu.dma_semaphore, #tpu.memory_space<semaphore_mem>>
      %dma_start3A = arith.constant 0 : i32
      %dma_start3A_65 = tpu.memref_slice %arg13[%add3A_22, %dma_start3A] : memref<5248x128xf32, #tpu.memory_space<vmem_shared>> -> memref<64x128xf32, #tpu.memory_space<vmem_shared>>
      %dma_start3A_66 = arith.constant 0 : i32
      %dma_start3A_67 = tpu.memref_slice %arg13[%add3A_22, %dma_start3A_66] : memref<5248x128xf32, #tpu.memory_space<vmem_shared>> -> memref<64x128xf32, #tpu.memory_space<vmem_shared>>
      tpu.enqueue_dma source(%arg11 : memref<64x128xf32, #tpu.memory_space<vmem>>) target(%dma_start3A_67 : memref<64x128xf32, #tpu.memory_space<vmem_shared>>) target_semaphore(%run_scoped3A : memref<!tpu.dma_semaphore, #tpu.memory_space<semaphore_mem>>)
      %dma_wait3A = arith.constant 0 : i32
      %dma_wait3A_68 = tpu.memref_slice %arg13[%add3A_22, %dma_wait3A] : memref<5248x128xf32, #tpu.memory_space<vmem_shared>> -> memref<64x128xf32, #tpu.memory_space<vmem_shared>>
      %dma_wait3A_69 = arith.constant 0 : i32
      %dma_wait3A_70 = tpu.memref_slice %arg13[%add3A_22, %dma_wait3A_69] : memref<5248x128xf32, #tpu.memory_space<vmem_shared>> -> memref<64x128xf32, #tpu.memory_space<vmem_shared>>
      tpu.wait_dma2 semaphore(%run_scoped3A : memref<!tpu.dma_semaphore, #tpu.memory_space<semaphore_mem>>) src(%arg11 : memref<64x128xf32, #tpu.memory_space<vmem>>) dst(%dma_wait3A_70 : memref<64x128xf32, #tpu.memory_space<vmem_shared>>)
      tpu.yield
    }) : () -> ()
    %mul3A_23 = arith.constant 320 : i32
    %mul3A_24 = arith.muli %arg1, %mul3A_23 : i32
    %add3A_25 = arith.constant 256 : i32
    %add3A_26 = arith.addi %mul3A_24, %add3A_25 : i32
    "tpu.region"() ({
      %run_scoped3A = tpu.sem_alloc : memref<!tpu.dma_semaphore, #tpu.memory_space<semaphore_mem>>
      %dma_start3A = arith.constant 0 : i32
      %dma_start3A_65 = tpu.memref_slice %arg13[%add3A_26, %dma_start3A] : memref<5248x128xf32, #tpu.memory_space<vmem_shared>> -> memref<64x128xf32, #tpu.memory_space<vmem_shared>>
      %dma_start3A_66 = arith.constant 0 : i32
      %dma_start3A_67 = tpu.memref_slice %arg13[%add3A_26, %dma_start3A_66] : memref<5248x128xf32, #tpu.memory_space<vmem_shared>> -> memref<64x128xf32, #tpu.memory_space<vmem_shared>>
      tpu.enqueue_dma source(%arg11 : memref<64x128xf32, #tpu.memory_space<vmem>>) target(%dma_start3A_67 : memref<64x128xf32, #tpu.memory_space<vmem_shared>>) target_semaphore(%run_scoped3A : memref<!tpu.dma_semaphore, #tpu.memory_space<semaphore_mem>>)
      %dma_wait3A = arith.constant 0 : i32
      %dma_wait3A_68 = tpu.memref_slice %arg13[%add3A_26, %dma_wait3A] : memref<5248x128xf32, #tpu.memory_space<vmem_shared>> -> memref<64x128xf32, #tpu.memory_space<vmem_shared>>
      %dma_wait3A_69 = arith.constant 0 : i32
      %dma_wait3A_70 = tpu.memref_slice %arg13[%add3A_26, %dma_wait3A_69] : memref<5248x128xf32, #tpu.memory_space<vmem_shared>> -> memref<64x128xf32, #tpu.memory_space<vmem_shared>>
      tpu.wait_dma2 semaphore(%run_scoped3A : memref<!tpu.dma_semaphore, #tpu.memory_space<semaphore_mem>>) src(%arg11 : memref<64x128xf32, #tpu.memory_space<vmem>>) dst(%dma_wait3A_70 : memref<64x128xf32, #tpu.memory_space<vmem_shared>>)
      tpu.yield
    }) : () -> ()
    %eq3A = arith.constant 0 : i32
    %eq3A_27 = arith.cmpi eq, %arg0, %eq3A : i32
    %convert_element_type3A = arith.extui %eq3A_27 : i1 to i32
    %cond3A = arith.constant 0 : i32
    %cond3A_28 = arith.cmpi ne, %convert_element_type3A, %cond3A : i32
    scf.if %cond3A_28 {
      %scan3A_65 = arith.constant 0 : i32
      %scan3A_66 = arith.constant 0 : i32
      %scan3A_67 = arith.constant 2500 : i32
      %scan3A_68 = arith.addi %scan3A_66, %scan3A_67 : i32
      %scan3A_69 = arith.constant 1 : i32
      scf.for %scan3A_71 = %scan3A_66 to %scan3A_68 step %scan3A_69  : i32 {
        %broadcast_in_dim3A = arith.constant 0.000000e+00 : f32
        %broadcast_in_dim3A_72 = vector.broadcast %broadcast_in_dim3A : f32 to vector<16xf32>
        %mul3A_73 = arith.constant 16 : i32
        %mul3A_74 = arith.muli %scan3A_71, %mul3A_73 : i32
        %swap3A = arith.index_cast %mul3A_74 : i32 to index
        %swap3A_75 = tpu.vector_load %arg12[%swap3A] {strides = array<i32>} : memref<40000xf32, #tpu.memory_space<vmem>>, vector<16xf32>,
        tpu.vector_store %arg12[%swap3A], %broadcast_in_dim3A_72 {strides = array<i32>} : memref<40000xf32, #tpu.memory_space<vmem>>, vector<16xf32>,
      }
      %scan3A_70 = arith.constant 2500 : i32
    } else {
    }
    %barrier3A = arith.constant 0 : index
    tpu.barrier barrier_id(%barrier3A)
    %iota3A = tpu.iota {dimensions = array<i32: 0>} : vector<16xi32>
    %shift_right_arithmetic3A = arith.constant 2 : i32
    %shift_right_arithmetic3A_29 = vector.broadcast %shift_right_arithmetic3A : i32 to vector<16xi32>
    %shift_right_arithmetic3A_30 = arith.shrsi %iota3A, %shift_right_arithmetic3A_29 : vector<16xi32>
    %and3A = arith.constant 3 : i32
    %and3A_31 = vector.broadcast %and3A : i32 to vector<16xi32>
    %and3A_32 = arith.andi %iota3A, %and3A_31 : vector<16xi32>
    %scan3A_33 = arith.constant 0 : i32
    %scan3A_34 = arith.constant 0 : i32
    %scan3A_35 = arith.constant 250 : i32
    %scan3A_36 = arith.addi %scan3A_34, %scan3A_35 : i32
    %scan3A_37 = arith.constant 1 : i32
    scf.for %scan3A_65 = %scan3A_34 to %scan3A_36 step %scan3A_37  : i32 {
      %mul3A_66 = arith.constant 80 : i32
      %mul3A_67 = arith.muli %scan3A_65, %mul3A_66 : i32
      %add3A_68 = arith.addi %mul3A_0, %mul3A_67 : i32
      "tpu.region"() ({
        %run_scoped3A = tpu.sem_alloc : memref<!tpu.dma_semaphore, #tpu.memory_space<semaphore_mem>>
        %dma_start3A = tpu.memref_slice %arg4[%add3A_68] : memref<320000xi32, #tpu.memory_space<hbm>> -> memref<80xi32, #tpu.memory_space<hbm>>
        %dma_start3A_171 = tpu.memref_slice %arg4[%add3A_68] : memref<320000xi32, #tpu.memory_space<hbm>> -> memref<80xi32, #tpu.memory_space<hbm>>
        tpu.enqueue_dma source(%dma_start3A_171 : memref<80xi32, #tpu.memory_space<hbm>>) target(%arg7 : memref<80xi32, #tpu.memory_space<vmem>>) target_semaphore(%run_scoped3A : memref<!tpu.dma_semaphore, #tpu.memory_space<semaphore_mem>>)
        %dma_wait3A = tpu.memref_slice %arg4[%add3A_68] : memref<320000xi32, #tpu.memory_space<hbm>> -> memref<80xi32, #tpu.memory_space<hbm>>
        %dma_wait3A_172 = tpu.memref_slice %arg4[%add3A_68] : memref<320000xi32, #tpu.memory_space<hbm>> -> memref<80xi32, #tpu.memory_space<hbm>>
        tpu.wait_dma2 semaphore(%run_scoped3A : memref<!tpu.dma_semaphore, #tpu.memory_space<semaphore_mem>>) src(%dma_wait3A_172 : memref<80xi32, #tpu.memory_space<hbm>>) dst(%arg7 : memref<80xi32, #tpu.memory_space<vmem>>)
        tpu.yield
      }) : () -> ()
      %mul3A_69 = arith.constant 80 : i32
      %mul3A_70 = arith.muli %scan3A_65, %mul3A_69 : i32
      %add3A_71 = arith.addi %mul3A_0, %mul3A_70 : i32
      "tpu.region"() ({
        %run_scoped3A = tpu.sem_alloc : memref<!tpu.dma_semaphore, #tpu.memory_space<semaphore_mem>>
        %dma_start3A = arith.constant 0 : i32
        %dma_start3A_171 = tpu.memref_slice %arg2[%add3A_71, %dma_start3A] : memref<320000x128xf32, #tpu.memory_space<hbm>> -> memref<80x128xf32, #tpu.memory_space<hbm>>
        %dma_start3A_172 = arith.constant 0 : i32
        %dma_start3A_173 = tpu.memref_slice %arg2[%add3A_71, %dma_start3A_172] : memref<320000x128xf32, #tpu.memory_space<hbm>> -> memref<80x128xf32, #tpu.memory_space<hbm>>
        tpu.enqueue_dma source(%dma_start3A_173 : memref<80x128xf32, #tpu.memory_space<hbm>>) target(%arg8 : memref<80x128xf32, #tpu.memory_space<vmem>>) target_semaphore(%run_scoped3A : memref<!tpu.dma_semaphore, #tpu.memory_space<semaphore_mem>>)
        %dma_wait3A = arith.constant 0 : i32
        %dma_wait3A_174 = tpu.memref_slice %arg2[%add3A_71, %dma_wait3A] : memref<320000x128xf32, #tpu.memory_space<hbm>> -> memref<80x128xf32, #tpu.memory_space<hbm>>
        %dma_wait3A_175 = arith.constant 0 : i32
        %dma_wait3A_176 = tpu.memref_slice %arg2[%add3A_71, %dma_wait3A_175] : memref<320000x128xf32, #tpu.memory_space<hbm>> -> memref<80x128xf32, #tpu.memory_space<hbm>>
        tpu.wait_dma2 semaphore(%run_scoped3A : memref<!tpu.dma_semaphore, #tpu.memory_space<semaphore_mem>>) src(%dma_wait3A_176 : memref<80x128xf32, #tpu.memory_space<hbm>>) dst(%arg8 : memref<80x128xf32, #tpu.memory_space<vmem>>)
        tpu.yield
      }) : () -> ()
      %get3A = arith.constant 0 : index
      %get3A_72 = tpu.vector_load %arg7[%get3A] {strides = array<i32>} : memref<80xi32, #tpu.memory_space<vmem>>, vector<16xi32>,
      %ge3A = vector.broadcast %mul3A_2 : i32 to vector<16xi32>
      %ge3A_73 = arith.cmpi sge, %get3A_72, %ge3A : vector<16xi32>
      %add3A_74 = arith.constant 5120 : i32
      %add3A_75 = arith.addi %mul3A_2, %add3A_74 : i32
      %lt3A = vector.broadcast %add3A_75 : i32 to vector<16xi32>
      %lt3A_76 = arith.cmpi slt, %get3A_72, %lt3A : vector<16xi32>
      %and3A_77 = arith.andi %ge3A_73, %lt3A_76 : vector<16xi1>
      %sub3A = vector.broadcast %mul3A_2 : i32 to vector<16xi32>
      %sub3A_78 = arith.subi %get3A_72, %sub3A : vector<16xi32>
      %and3A_79 = arith.constant 127 : i32
      %and3A_80 = vector.broadcast %and3A_79 : i32 to vector<16xi32>
      %and3A_81 = arith.andi %get3A_72, %and3A_80 : vector<16xi32>
      %add3A_82 = arith.constant 5120 : i32
      %add3A_83 = vector.broadcast %add3A_82 : i32 to vector<16xi32>
      %add3A_84 = arith.addi %add3A_83, %and3A_81 : vector<16xi32>
      %select_n3A = arith.select %and3A_77, %sub3A_78, %add3A_84 : vector<16xi1>, vector<16xi32>
      %swap3A = arith.constant 0 : index
      %swap3A_85 = tpu.vector_load %arg10[%swap3A] {strides = array<i32>} : memref<80xi32, #tpu.memory_space<vmem>>, vector<16xi32>,
      tpu.vector_store %arg10[%swap3A], %select_n3A {strides = array<i32>} : memref<80xi32, #tpu.memory_space<vmem>>, vector<16xi32>,
      %get3A_86 = arith.constant 16 : index
      %get3A_87 = tpu.vector_load %arg7[%get3A_86] {strides = array<i32>} : memref<80xi32, #tpu.memory_space<vmem>>, vector<16xi32>,
      %ge3A_88 = vector.broadcast %mul3A_2 : i32 to vector<16xi32>
      %ge3A_89 = arith.cmpi sge, %get3A_87, %ge3A_88 : vector<16xi32>
      %add3A_90 = arith.constant 5120 : i32
      %add3A_91 = arith.addi %mul3A_2, %add3A_90 : i32
      %lt3A_92 = vector.broadcast %add3A_91 : i32 to vector<16xi32>
      %lt3A_93 = arith.cmpi slt, %get3A_87, %lt3A_92 : vector<16xi32>
      %and3A_94 = arith.andi %ge3A_89, %lt3A_93 : vector<16xi1>
      %sub3A_95 = vector.broadcast %mul3A_2 : i32 to vector<16xi32>
      %sub3A_96 = arith.subi %get3A_87, %sub3A_95 : vector<16xi32>
      %and3A_97 = arith.constant 127 : i32
      %and3A_98 = vector.broadcast %and3A_97 : i32 to vector<16xi32>
      %and3A_99 = arith.andi %get3A_87, %and3A_98 : vector<16xi32>
      %add3A_100 = arith.constant 5120 : i32
      %add3A_101 = vector.broadcast %add3A_100 : i32 to vector<16xi32>
      %add3A_102 = arith.addi %add3A_101, %and3A_99 : vector<16xi32>
      %select_n3A_103 = arith.select %and3A_94, %sub3A_96, %add3A_102 : vector<16xi1>, vector<16xi32>
      %swap3A_104 = arith.constant 16 : index
      %swap3A_105 = tpu.vector_load %arg10[%swap3A_104] {strides = array<i32>} : memref<80xi32, #tpu.memory_space<vmem>>, vector<16xi32>,
      tpu.vector_store %arg10[%swap3A_104], %select_n3A_103 {strides = array<i32>} : memref<80xi32, #tpu.memory_space<vmem>>, vector<16xi32>,
      %get3A_106 = arith.constant 32 : index
      %get3A_107 = tpu.vector_load %arg7[%get3A_106] {strides = array<i32>} : memref<80xi32, #tpu.memory_space<vmem>>, vector<16xi32>,
      %ge3A_108 = vector.broadcast %mul3A_2 : i32 to vector<16xi32>
      %ge3A_109 = arith.cmpi sge, %get3A_107, %ge3A_108 : vector<16xi32>
      %add3A_110 = arith.constant 5120 : i32
      %add3A_111 = arith.addi %mul3A_2, %add3A_110 : i32
      %lt3A_112 = vector.broadcast %add3A_111 : i32 to vector<16xi32>
      %lt3A_113 = arith.cmpi slt, %get3A_107, %lt3A_112 : vector<16xi32>
      %and3A_114 = arith.andi %ge3A_109, %lt3A_113 : vector<16xi1>
      %sub3A_115 = vector.broadcast %mul3A_2 : i32 to vector<16xi32>
      %sub3A_116 = arith.subi %get3A_107, %sub3A_115 : vector<16xi32>
      %and3A_117 = arith.constant 127 : i32
      %and3A_118 = vector.broadcast %and3A_117 : i32 to vector<16xi32>
      %and3A_119 = arith.andi %get3A_107, %and3A_118 : vector<16xi32>
      %add3A_120 = arith.constant 5120 : i32
      %add3A_121 = vector.broadcast %add3A_120 : i32 to vector<16xi32>
      %add3A_122 = arith.addi %add3A_121, %and3A_119 : vector<16xi32>
      %select_n3A_123 = arith.select %and3A_114, %sub3A_116, %add3A_122 : vector<16xi1>, vector<16xi32>
      %swap3A_124 = arith.constant 32 : index
      %swap3A_125 = tpu.vector_load %arg10[%swap3A_124] {strides = array<i32>} : memref<80xi32, #tpu.memory_space<vmem>>, vector<16xi32>,
      tpu.vector_store %arg10[%swap3A_124], %select_n3A_123 {strides = array<i32>} : memref<80xi32, #tpu.memory_space<vmem>>, vector<16xi32>,
      %get3A_126 = arith.constant 48 : index
      %get3A_127 = tpu.vector_load %arg7[%get3A_126] {strides = array<i32>} : memref<80xi32, #tpu.memory_space<vmem>>, vector<16xi32>,
      %ge3A_128 = vector.broadcast %mul3A_2 : i32 to vector<16xi32>
      %ge3A_129 = arith.cmpi sge, %get3A_127, %ge3A_128 : vector<16xi32>
      %add3A_130 = arith.constant 5120 : i32
      %add3A_131 = arith.addi %mul3A_2, %add3A_130 : i32
      %lt3A_132 = vector.broadcast %add3A_131 : i32 to vector<16xi32>
      %lt3A_133 = arith.cmpi slt, %get3A_127, %lt3A_132 : vector<16xi32>
      %and3A_134 = arith.andi %ge3A_129, %lt3A_133 : vector<16xi1>
      %sub3A_135 = vector.broadcast %mul3A_2 : i32 to vector<16xi32>
      %sub3A_136 = arith.subi %get3A_127, %sub3A_135 : vector<16xi32>
      %and3A_137 = arith.constant 127 : i32
      %and3A_138 = vector.broadcast %and3A_137 : i32 to vector<16xi32>
      %and3A_139 = arith.andi %get3A_127, %and3A_138 : vector<16xi32>
      %add3A_140 = arith.constant 5120 : i32
      %add3A_141 = vector.broadcast %add3A_140 : i32 to vector<16xi32>
      %add3A_142 = arith.addi %add3A_141, %and3A_139 : vector<16xi32>
      %select_n3A_143 = arith.select %and3A_134, %sub3A_136, %add3A_142 : vector<16xi1>, vector<16xi32>
      %swap3A_144 = arith.constant 48 : index
      %swap3A_145 = tpu.vector_load %arg10[%swap3A_144] {strides = array<i32>} : memref<80xi32, #tpu.memory_space<vmem>>, vector<16xi32>,
      tpu.vector_store %arg10[%swap3A_144], %select_n3A_143 {strides = array<i32>} : memref<80xi32, #tpu.memory_space<vmem>>, vector<16xi32>,
      %get3A_146 = arith.constant 64 : index
      %get3A_147 = tpu.vector_load %arg7[%get3A_146] {strides = array<i32>} : memref<80xi32, #tpu.memory_space<vmem>>, vector<16xi32>,
      %ge3A_148 = vector.broadcast %mul3A_2 : i32 to vector<16xi32>
      %ge3A_149 = arith.cmpi sge, %get3A_147, %ge3A_148 : vector<16xi32>
      %add3A_150 = arith.constant 5120 : i32
      %add3A_151 = arith.addi %mul3A_2, %add3A_150 : i32
      %lt3A_152 = vector.broadcast %add3A_151 : i32 to vector<16xi32>
      %lt3A_153 = arith.cmpi slt, %get3A_147, %lt3A_152 : vector<16xi32>
      %and3A_154 = arith.andi %ge3A_149, %lt3A_153 : vector<16xi1>
      %sub3A_155 = vector.broadcast %mul3A_2 : i32 to vector<16xi32>
      %sub3A_156 = arith.subi %get3A_147, %sub3A_155 : vector<16xi32>
      %and3A_157 = arith.constant 127 : i32
      %and3A_158 = vector.broadcast %and3A_157 : i32 to vector<16xi32>
      %and3A_159 = arith.andi %get3A_147, %and3A_158 : vector<16xi32>
      %add3A_160 = arith.constant 5120 : i32
      %add3A_161 = vector.broadcast %add3A_160 : i32 to vector<16xi32>
      %add3A_162 = arith.addi %add3A_161, %and3A_159 : vector<16xi32>
      %select_n3A_163 = arith.select %and3A_154, %sub3A_156, %add3A_162 : vector<16xi1>, vector<16xi32>
      %swap3A_164 = arith.constant 64 : index
      %swap3A_165 = tpu.vector_load %arg10[%swap3A_164] {strides = array<i32>} : memref<80xi32, #tpu.memory_space<vmem>>, vector<16xi32>,
      tpu.vector_store %arg10[%swap3A_164], %select_n3A_163 {strides = array<i32>} : memref<80xi32, #tpu.memory_space<vmem>>, vector<16xi32>,
      "tpu.region"() ({
        %run_scoped3A = tpu.sem_alloc : memref<!tpu.dma_semaphore, #tpu.memory_space<semaphore_mem>>
        %dma_start3A = arith.constant 0 : i32
        %dma_start3A_171 = arith.constant 0 : i32
        %dma_start3A_172 = tpu.memref_slice %arg13[%dma_start3A, %dma_start3A_171] : memref<5248x128xf32, #tpu.memory_space<vmem_shared>> -> memref<5248x128xf32, #tpu.memory_space<vmem_shared>>
        tpu.enqueue_indirect_dma source(%arg8 : memref<80x128xf32, #tpu.memory_space<vmem>>) target(%dma_start3A_172 : memref<5248x128xf32, #tpu.memory_space<vmem_shared>>) offsets(%arg10 : memref<80xi32, #tpu.memory_space<vmem>>) semaphore(%run_scoped3A : memref<!tpu.dma_semaphore, #tpu.memory_space<semaphore_mem>>) {add = true}
        %dma_wait3A = arith.constant 0 : i32
        %dma_wait3A_173 = arith.constant 0 : i32
        %dma_wait3A_174 = tpu.memref_slice %arg13[%dma_wait3A, %dma_wait3A_173] : memref<5248x128xf32, #tpu.memory_space<vmem_shared>> -> memref<5248x128xf32, #tpu.memory_space<vmem_shared>>
        tpu.wait_indirect_dma semaphore(%run_scoped3A : memref<!tpu.dma_semaphore, #tpu.memory_space<semaphore_mem>>) src(%arg8 : memref<80x128xf32, #tpu.memory_space<vmem>>) dst(%dma_wait3A_174 : memref<5248x128xf32, #tpu.memory_space<vmem_shared>>)
        tpu.yield
      }) : () -> ()
      %eq3A_166 = arith.constant 0 : i32
      %eq3A_167 = arith.cmpi eq, %arg0, %eq3A_166 : i32
      %convert_element_type3A_168 = arith.extui %eq3A_167 : i1 to i32
      %cond3A_169 = arith.constant 0 : i32
      %cond3A_170 = arith.cmpi ne, %convert_element_type3A_168, %cond3A_169 : i32
      scf.if %cond3A_170 {
        %mul3A_171 = arith.constant 80 : i32
        %mul3A_172 = arith.muli %scan3A_65, %mul3A_171 : i32
        %add3A_173 = arith.addi %mul3A_0, %mul3A_172 : i32
        %mul3A_174 = arith.constant 4 : i32
        %mul3A_175 = arith.muli %add3A_173, %mul3A_174 : i32
        "tpu.region"() ({
          %run_scoped3A = tpu.sem_alloc : memref<!tpu.dma_semaphore, #tpu.memory_space<semaphore_mem>>
          %dma_start3A = tpu.memref_slice %arg3[%mul3A_175] : memref<1280000xf32, #tpu.memory_space<hbm>> -> memref<320xf32, #tpu.memory_space<hbm>>
          %dma_start3A_375 = tpu.memref_slice %arg3[%mul3A_175] : memref<1280000xf32, #tpu.memory_space<hbm>> -> memref<320xf32, #tpu.memory_space<hbm>>
          tpu.enqueue_dma source(%dma_start3A_375 : memref<320xf32, #tpu.memory_space<hbm>>) target(%arg9 : memref<320xf32, #tpu.memory_space<vmem>>) target_semaphore(%run_scoped3A : memref<!tpu.dma_semaphore, #tpu.memory_space<semaphore_mem>>)
          %dma_wait3A = tpu.memref_slice %arg3[%mul3A_175] : memref<1280000xf32, #tpu.memory_space<hbm>> -> memref<320xf32, #tpu.memory_space<hbm>>
          %dma_wait3A_376 = tpu.memref_slice %arg3[%mul3A_175] : memref<1280000xf32, #tpu.memory_space<hbm>> -> memref<320xf32, #tpu.memory_space<hbm>>
          tpu.wait_dma2 semaphore(%run_scoped3A : memref<!tpu.dma_semaphore, #tpu.memory_space<semaphore_mem>>) src(%dma_wait3A_376 : memref<320xf32, #tpu.memory_space<hbm>>) dst(%arg9 : memref<320xf32, #tpu.memory_space<vmem>>)
          tpu.yield
        }) : () -> ()
        %add3A_176 = arith.constant 0 : i32
        %add3A_177 = vector.broadcast %add3A_176 : i32 to vector<16xi32>
        %add3A_178 = arith.addi %add3A_177, %shift_right_arithmetic3A_30 : vector<16xi32>
        %gather3A = tpu.vector_load_idx %arg7[%add3A_178] : memref<80xi32, #tpu.memory_space<vmem>>[vector<16xi32>], vector<16xi32>,
        %get3A_179 = arith.constant 0 : index
        %get3A_180 = tpu.vector_load %arg9[%get3A_179] {strides = array<i32>} : memref<320xf32, #tpu.memory_space<vmem>>, vector<16xf32>,
        %mul3A_181 = arith.constant 4 : i32
        %mul3A_182 = vector.broadcast %mul3A_181 : i32 to vector<16xi32>
        %mul3A_183 = arith.muli %gather3A, %mul3A_182 : vector<16xi32>
        %add3A_184 = arith.addi %mul3A_183, %and3A_32 : vector<16xi32>
        tpu.vector_store_idx %arg12[%add3A_184], %get3A_180 {add = true} : memref<40000xf32, #tpu.memory_space<vmem>>[vector<16xi32>], vector<16xf32>,
        %add3A_185 = arith.constant 4 : i32
        %add3A_186 = vector.broadcast %add3A_185 : i32 to vector<16xi32>
        %add3A_187 = arith.addi %add3A_186, %shift_right_arithmetic3A_30 : vector<16xi32>
        %gather3A_188 = tpu.vector_load_idx %arg7[%add3A_187] : memref<80xi32, #tpu.memory_space<vmem>>[vector<16xi32>], vector<16xi32>,
        %get3A_189 = arith.constant 16 : index
        %get3A_190 = tpu.vector_load %arg9[%get3A_189] {strides = array<i32>} : memref<320xf32, #tpu.memory_space<vmem>>, vector<16xf32>,
        %mul3A_191 = arith.constant 4 : i32
        %mul3A_192 = vector.broadcast %mul3A_191 : i32 to vector<16xi32>
        %mul3A_193 = arith.muli %gather3A_188, %mul3A_192 : vector<16xi32>
        %add3A_194 = arith.addi %mul3A_193, %and3A_32 : vector<16xi32>
        tpu.vector_store_idx %arg12[%add3A_194], %get3A_190 {add = true} : memref<40000xf32, #tpu.memory_space<vmem>>[vector<16xi32>], vector<16xf32>,
        %add3A_195 = arith.constant 8 : i32
        %add3A_196 = vector.broadcast %add3A_195 : i32 to vector<16xi32>
        %add3A_197 = arith.addi %add3A_196, %shift_right_arithmetic3A_30 : vector<16xi32>
        %gather3A_198 = tpu.vector_load_idx %arg7[%add3A_197] : memref<80xi32, #tpu.memory_space<vmem>>[vector<16xi32>], vector<16xi32>,
        %get3A_199 = arith.constant 32 : index
        %get3A_200 = tpu.vector_load %arg9[%get3A_199] {strides = array<i32>} : memref<320xf32, #tpu.memory_space<vmem>>, vector<16xf32>,
        %mul3A_201 = arith.constant 4 : i32
        %mul3A_202 = vector.broadcast %mul3A_201 : i32 to vector<16xi32>
        %mul3A_203 = arith.muli %gather3A_198, %mul3A_202 : vector<16xi32>
        %add3A_204 = arith.addi %mul3A_203, %and3A_32 : vector<16xi32>
        tpu.vector_store_idx %arg12[%add3A_204], %get3A_200 {add = true} : memref<40000xf32, #tpu.memory_space<vmem>>[vector<16xi32>], vector<16xf32>,
        %add3A_205 = arith.constant 12 : i32
        %add3A_206 = vector.broadcast %add3A_205 : i32 to vector<16xi32>
        %add3A_207 = arith.addi %add3A_206, %shift_right_arithmetic3A_30 : vector<16xi32>
        %gather3A_208 = tpu.vector_load_idx %arg7[%add3A_207] : memref<80xi32, #tpu.memory_space<vmem>>[vector<16xi32>], vector<16xi32>,
        %get3A_209 = arith.constant 48 : index
        %get3A_210 = tpu.vector_load %arg9[%get3A_209] {strides = array<i32>} : memref<320xf32, #tpu.memory_space<vmem>>, vector<16xf32>,
        %mul3A_211 = arith.constant 4 : i32
        %mul3A_212 = vector.broadcast %mul3A_211 : i32 to vector<16xi32>
        %mul3A_213 = arith.muli %gather3A_208, %mul3A_212 : vector<16xi32>
        %add3A_214 = arith.addi %mul3A_213, %and3A_32 : vector<16xi32>
        tpu.vector_store_idx %arg12[%add3A_214], %get3A_210 {add = true} : memref<40000xf32, #tpu.memory_space<vmem>>[vector<16xi32>], vector<16xf32>,
        %add3A_215 = arith.constant 16 : i32
        %add3A_216 = vector.broadcast %add3A_215 : i32 to vector<16xi32>
        %add3A_217 = arith.addi %add3A_216, %shift_right_arithmetic3A_30 : vector<16xi32>
        %gather3A_218 = tpu.vector_load_idx %arg7[%add3A_217] : memref<80xi32, #tpu.memory_space<vmem>>[vector<16xi32>], vector<16xi32>,
        %get3A_219 = arith.constant 64 : index
        %get3A_220 = tpu.vector_load %arg9[%get3A_219] {strides = array<i32>} : memref<320xf32, #tpu.memory_space<vmem>>, vector<16xf32>,
        %mul3A_221 = arith.constant 4 : i32
        %mul3A_222 = vector.broadcast %mul3A_221 : i32 to vector<16xi32>
        %mul3A_223 = arith.muli %gather3A_218, %mul3A_222 : vector<16xi32>
        %add3A_224 = arith.addi %mul3A_223, %and3A_32 : vector<16xi32>
        tpu.vector_store_idx %arg12[%add3A_224], %get3A_220 {add = true} : memref<40000xf32, #tpu.memory_space<vmem>>[vector<16xi32>], vector<16xf32>,
        %add3A_225 = arith.constant 20 : i32
        %add3A_226 = vector.broadcast %add3A_225 : i32 to vector<16xi32>
        %add3A_227 = arith.addi %add3A_226, %shift_right_arithmetic3A_30 : vector<16xi32>
        %gather3A_228 = tpu.vector_load_idx %arg7[%add3A_227] : memref<80xi32, #tpu.memory_space<vmem>>[vector<16xi32>], vector<16xi32>,
        %get3A_229 = arith.constant 80 : index
        %get3A_230 = tpu.vector_load %arg9[%get3A_229] {strides = array<i32>} : memref<320xf32, #tpu.memory_space<vmem>>, vector<16xf32>,
        %mul3A_231 = arith.constant 4 : i32
        %mul3A_232 = vector.broadcast %mul3A_231 : i32 to vector<16xi32>
        %mul3A_233 = arith.muli %gather3A_228, %mul3A_232 : vector<16xi32>
        %add3A_234 = arith.addi %mul3A_233, %and3A_32 : vector<16xi32>
        tpu.vector_store_idx %arg12[%add3A_234], %get3A_230 {add = true} : memref<40000xf32, #tpu.memory_space<vmem>>[vector<16xi32>], vector<16xf32>,
        %add3A_235 = arith.constant 24 : i32
        %add3A_236 = vector.broadcast %add3A_235 : i32 to vector<16xi32>
        %add3A_237 = arith.addi %add3A_236, %shift_right_arithmetic3A_30 : vector<16xi32>
        %gather3A_238 = tpu.vector_load_idx %arg7[%add3A_237] : memref<80xi32, #tpu.memory_space<vmem>>[vector<16xi32>], vector<16xi32>,
        %get3A_239 = arith.constant 96 : index
        %get3A_240 = tpu.vector_load %arg9[%get3A_239] {strides = array<i32>} : memref<320xf32, #tpu.memory_space<vmem>>, vector<16xf32>,
        %mul3A_241 = arith.constant 4 : i32
        %mul3A_242 = vector.broadcast %mul3A_241 : i32 to vector<16xi32>
        %mul3A_243 = arith.muli %gather3A_238, %mul3A_242 : vector<16xi32>
        %add3A_244 = arith.addi %mul3A_243, %and3A_32 : vector<16xi32>
        tpu.vector_store_idx %arg12[%add3A_244], %get3A_240 {add = true} : memref<40000xf32, #tpu.memory_space<vmem>>[vector<16xi32>], vector<16xf32>,
        %add3A_245 = arith.constant 28 : i32
        %add3A_246 = vector.broadcast %add3A_245 : i32 to vector<16xi32>
        %add3A_247 = arith.addi %add3A_246, %shift_right_arithmetic3A_30 : vector<16xi32>
        %gather3A_248 = tpu.vector_load_idx %arg7[%add3A_247] : memref<80xi32, #tpu.memory_space<vmem>>[vector<16xi32>], vector<16xi32>,
        %get3A_249 = arith.constant 112 : index
        %get3A_250 = tpu.vector_load %arg9[%get3A_249] {strides = array<i32>} : memref<320xf32, #tpu.memory_space<vmem>>, vector<16xf32>,
        %mul3A_251 = arith.constant 4 : i32
        %mul3A_252 = vector.broadcast %mul3A_251 : i32 to vector<16xi32>
        %mul3A_253 = arith.muli %gather3A_248, %mul3A_252 : vector<16xi32>
        %add3A_254 = arith.addi %mul3A_253, %and3A_32 : vector<16xi32>
        tpu.vector_store_idx %arg12[%add3A_254], %get3A_250 {add = true} : memref<40000xf32, #tpu.memory_space<vmem>>[vector<16xi32>], vector<16xf32>,
        %add3A_255 = arith.constant 32 : i32
        %add3A_256 = vector.broadcast %add3A_255 : i32 to vector<16xi32>
        %add3A_257 = arith.addi %add3A_256, %shift_right_arithmetic3A_30 : vector<16xi32>
        %gather3A_258 = tpu.vector_load_idx %arg7[%add3A_257] : memref<80xi32, #tpu.memory_space<vmem>>[vector<16xi32>], vector<16xi32>,
        %get3A_259 = arith.constant 128 : index
        %get3A_260 = tpu.vector_load %arg9[%get3A_259] {strides = array<i32>} : memref<320xf32, #tpu.memory_space<vmem>>, vector<16xf32>,
        %mul3A_261 = arith.constant 4 : i32
        %mul3A_262 = vector.broadcast %mul3A_261 : i32 to vector<16xi32>
        %mul3A_263 = arith.muli %gather3A_258, %mul3A_262 : vector<16xi32>
        %add3A_264 = arith.addi %mul3A_263, %and3A_32 : vector<16xi32>
        tpu.vector_store_idx %arg12[%add3A_264], %get3A_260 {add = true} : memref<40000xf32, #tpu.memory_space<vmem>>[vector<16xi32>], vector<16xf32>,
        %add3A_265 = arith.constant 36 : i32
        %add3A_266 = vector.broadcast %add3A_265 : i32 to vector<16xi32>
        %add3A_267 = arith.addi %add3A_266, %shift_right_arithmetic3A_30 : vector<16xi32>
        %gather3A_268 = tpu.vector_load_idx %arg7[%add3A_267] : memref<80xi32, #tpu.memory_space<vmem>>[vector<16xi32>], vector<16xi32>,
        %get3A_269 = arith.constant 144 : index
        %get3A_270 = tpu.vector_load %arg9[%get3A_269] {strides = array<i32>} : memref<320xf32, #tpu.memory_space<vmem>>, vector<16xf32>,
        %mul3A_271 = arith.constant 4 : i32
        %mul3A_272 = vector.broadcast %mul3A_271 : i32 to vector<16xi32>
        %mul3A_273 = arith.muli %gather3A_268, %mul3A_272 : vector<16xi32>
        %add3A_274 = arith.addi %mul3A_273, %and3A_32 : vector<16xi32>
        tpu.vector_store_idx %arg12[%add3A_274], %get3A_270 {add = true} : memref<40000xf32, #tpu.memory_space<vmem>>[vector<16xi32>], vector<16xf32>,
        %add3A_275 = arith.constant 40 : i32
        %add3A_276 = vector.broadcast %add3A_275 : i32 to vector<16xi32>
        %add3A_277 = arith.addi %add3A_276, %shift_right_arithmetic3A_30 : vector<16xi32>
        %gather3A_278 = tpu.vector_load_idx %arg7[%add3A_277] : memref<80xi32, #tpu.memory_space<vmem>>[vector<16xi32>], vector<16xi32>,
        %get3A_279 = arith.constant 160 : index
        %get3A_280 = tpu.vector_load %arg9[%get3A_279] {strides = array<i32>} : memref<320xf32, #tpu.memory_space<vmem>>, vector<16xf32>,
        %mul3A_281 = arith.constant 4 : i32
        %mul3A_282 = vector.broadcast %mul3A_281 : i32 to vector<16xi32>
        %mul3A_283 = arith.muli %gather3A_278, %mul3A_282 : vector<16xi32>
        %add3A_284 = arith.addi %mul3A_283, %and3A_32 : vector<16xi32>
        tpu.vector_store_idx %arg12[%add3A_284], %get3A_280 {add = true} : memref<40000xf32, #tpu.memory_space<vmem>>[vector<16xi32>], vector<16xf32>,
        %add3A_285 = arith.constant 44 : i32
        %add3A_286 = vector.broadcast %add3A_285 : i32 to vector<16xi32>
        %add3A_287 = arith.addi %add3A_286, %shift_right_arithmetic3A_30 : vector<16xi32>
        %gather3A_288 = tpu.vector_load_idx %arg7[%add3A_287] : memref<80xi32, #tpu.memory_space<vmem>>[vector<16xi32>], vector<16xi32>,
        %get3A_289 = arith.constant 176 : index
        %get3A_290 = tpu.vector_load %arg9[%get3A_289] {strides = array<i32>} : memref<320xf32, #tpu.memory_space<vmem>>, vector<16xf32>,
        %mul3A_291 = arith.constant 4 : i32
        %mul3A_292 = vector.broadcast %mul3A_291 : i32 to vector<16xi32>
        %mul3A_293 = arith.muli %gather3A_288, %mul3A_292 : vector<16xi32>
        %add3A_294 = arith.addi %mul3A_293, %and3A_32 : vector<16xi32>
        tpu.vector_store_idx %arg12[%add3A_294], %get3A_290 {add = true} : memref<40000xf32, #tpu.memory_space<vmem>>[vector<16xi32>], vector<16xf32>,
        %add3A_295 = arith.constant 48 : i32
        %add3A_296 = vector.broadcast %add3A_295 : i32 to vector<16xi32>
        %add3A_297 = arith.addi %add3A_296, %shift_right_arithmetic3A_30 : vector<16xi32>
        %gather3A_298 = tpu.vector_load_idx %arg7[%add3A_297] : memref<80xi32, #tpu.memory_space<vmem>>[vector<16xi32>], vector<16xi32>,
        %get3A_299 = arith.constant 192 : index
        %get3A_300 = tpu.vector_load %arg9[%get3A_299] {strides = array<i32>} : memref<320xf32, #tpu.memory_space<vmem>>, vector<16xf32>,
        %mul3A_301 = arith.constant 4 : i32
        %mul3A_302 = vector.broadcast %mul3A_301 : i32 to vector<16xi32>
        %mul3A_303 = arith.muli %gather3A_298, %mul3A_302 : vector<16xi32>
        %add3A_304 = arith.addi %mul3A_303, %and3A_32 : vector<16xi32>
        tpu.vector_store_idx %arg12[%add3A_304], %get3A_300 {add = true} : memref<40000xf32, #tpu.memory_space<vmem>>[vector<16xi32>], vector<16xf32>,
        %add3A_305 = arith.constant 52 : i32
        %add3A_306 = vector.broadcast %add3A_305 : i32 to vector<16xi32>
        %add3A_307 = arith.addi %add3A_306, %shift_right_arithmetic3A_30 : vector<16xi32>
        %gather3A_308 = tpu.vector_load_idx %arg7[%add3A_307] : memref<80xi32, #tpu.memory_space<vmem>>[vector<16xi32>], vector<16xi32>,
        %get3A_309 = arith.constant 208 : index
        %get3A_310 = tpu.vector_load %arg9[%get3A_309] {strides = array<i32>} : memref<320xf32, #tpu.memory_space<vmem>>, vector<16xf32>,
        %mul3A_311 = arith.constant 4 : i32
        %mul3A_312 = vector.broadcast %mul3A_311 : i32 to vector<16xi32>
        %mul3A_313 = arith.muli %gather3A_308, %mul3A_312 : vector<16xi32>
        %add3A_314 = arith.addi %mul3A_313, %and3A_32 : vector<16xi32>
        tpu.vector_store_idx %arg12[%add3A_314], %get3A_310 {add = true} : memref<40000xf32, #tpu.memory_space<vmem>>[vector<16xi32>], vector<16xf32>,
        %add3A_315 = arith.constant 56 : i32
        %add3A_316 = vector.broadcast %add3A_315 : i32 to vector<16xi32>
        %add3A_317 = arith.addi %add3A_316, %shift_right_arithmetic3A_30 : vector<16xi32>
        %gather3A_318 = tpu.vector_load_idx %arg7[%add3A_317] : memref<80xi32, #tpu.memory_space<vmem>>[vector<16xi32>], vector<16xi32>,
        %get3A_319 = arith.constant 224 : index
        %get3A_320 = tpu.vector_load %arg9[%get3A_319] {strides = array<i32>} : memref<320xf32, #tpu.memory_space<vmem>>, vector<16xf32>,
        %mul3A_321 = arith.constant 4 : i32
        %mul3A_322 = vector.broadcast %mul3A_321 : i32 to vector<16xi32>
        %mul3A_323 = arith.muli %gather3A_318, %mul3A_322 : vector<16xi32>
        %add3A_324 = arith.addi %mul3A_323, %and3A_32 : vector<16xi32>
        tpu.vector_store_idx %arg12[%add3A_324], %get3A_320 {add = true} : memref<40000xf32, #tpu.memory_space<vmem>>[vector<16xi32>], vector<16xf32>,
        %add3A_325 = arith.constant 60 : i32
        %add3A_326 = vector.broadcast %add3A_325 : i32 to vector<16xi32>
        %add3A_327 = arith.addi %add3A_326, %shift_right_arithmetic3A_30 : vector<16xi32>
        %gather3A_328 = tpu.vector_load_idx %arg7[%add3A_327] : memref<80xi32, #tpu.memory_space<vmem>>[vector<16xi32>], vector<16xi32>,
        %get3A_329 = arith.constant 240 : index
        %get3A_330 = tpu.vector_load %arg9[%get3A_329] {strides = array<i32>} : memref<320xf32, #tpu.memory_space<vmem>>, vector<16xf32>,
        %mul3A_331 = arith.constant 4 : i32
        %mul3A_332 = vector.broadcast %mul3A_331 : i32 to vector<16xi32>
        %mul3A_333 = arith.muli %gather3A_328, %mul3A_332 : vector<16xi32>
        %add3A_334 = arith.addi %mul3A_333, %and3A_32 : vector<16xi32>
        tpu.vector_store_idx %arg12[%add3A_334], %get3A_330 {add = true} : memref<40000xf32, #tpu.memory_space<vmem>>[vector<16xi32>], vector<16xf32>,
        %add3A_335 = arith.constant 64 : i32
        %add3A_336 = vector.broadcast %add3A_335 : i32 to vector<16xi32>
        %add3A_337 = arith.addi %add3A_336, %shift_right_arithmetic3A_30 : vector<16xi32>
        %gather3A_338 = tpu.vector_load_idx %arg7[%add3A_337] : memref<80xi32, #tpu.memory_space<vmem>>[vector<16xi32>], vector<16xi32>,
        %get3A_339 = arith.constant 256 : index
        %get3A_340 = tpu.vector_load %arg9[%get3A_339] {strides = array<i32>} : memref<320xf32, #tpu.memory_space<vmem>>, vector<16xf32>,
        %mul3A_341 = arith.constant 4 : i32
        %mul3A_342 = vector.broadcast %mul3A_341 : i32 to vector<16xi32>
        %mul3A_343 = arith.muli %gather3A_338, %mul3A_342 : vector<16xi32>
        %add3A_344 = arith.addi %mul3A_343, %and3A_32 : vector<16xi32>
        tpu.vector_store_idx %arg12[%add3A_344], %get3A_340 {add = true} : memref<40000xf32, #tpu.memory_space<vmem>>[vector<16xi32>], vector<16xf32>,
        %add3A_345 = arith.constant 68 : i32
        %add3A_346 = vector.broadcast %add3A_345 : i32 to vector<16xi32>
        %add3A_347 = arith.addi %add3A_346, %shift_right_arithmetic3A_30 : vector<16xi32>
        %gather3A_348 = tpu.vector_load_idx %arg7[%add3A_347] : memref<80xi32, #tpu.memory_space<vmem>>[vector<16xi32>], vector<16xi32>,
        %get3A_349 = arith.constant 272 : index
        %get3A_350 = tpu.vector_load %arg9[%get3A_349] {strides = array<i32>} : memref<320xf32, #tpu.memory_space<vmem>>, vector<16xf32>,
        %mul3A_351 = arith.constant 4 : i32
        %mul3A_352 = vector.broadcast %mul3A_351 : i32 to vector<16xi32>
        %mul3A_353 = arith.muli %gather3A_348, %mul3A_352 : vector<16xi32>
        %add3A_354 = arith.addi %mul3A_353, %and3A_32 : vector<16xi32>
        tpu.vector_store_idx %arg12[%add3A_354], %get3A_350 {add = true} : memref<40000xf32, #tpu.memory_space<vmem>>[vector<16xi32>], vector<16xf32>,
        %add3A_355 = arith.constant 72 : i32
        %add3A_356 = vector.broadcast %add3A_355 : i32 to vector<16xi32>
        %add3A_357 = arith.addi %add3A_356, %shift_right_arithmetic3A_30 : vector<16xi32>
        %gather3A_358 = tpu.vector_load_idx %arg7[%add3A_357] : memref<80xi32, #tpu.memory_space<vmem>>[vector<16xi32>], vector<16xi32>,
        %get3A_359 = arith.constant 288 : index
        %get3A_360 = tpu.vector_load %arg9[%get3A_359] {strides = array<i32>} : memref<320xf32, #tpu.memory_space<vmem>>, vector<16xf32>,
        %mul3A_361 = arith.constant 4 : i32
        %mul3A_362 = vector.broadcast %mul3A_361 : i32 to vector<16xi32>
        %mul3A_363 = arith.muli %gather3A_358, %mul3A_362 : vector<16xi32>
        %add3A_364 = arith.addi %mul3A_363, %and3A_32 : vector<16xi32>
        tpu.vector_store_idx %arg12[%add3A_364], %get3A_360 {add = true} : memref<40000xf32, #tpu.memory_space<vmem>>[vector<16xi32>], vector<16xf32>,
        %add3A_365 = arith.constant 76 : i32
        %add3A_366 = vector.broadcast %add3A_365 : i32 to vector<16xi32>
        %add3A_367 = arith.addi %add3A_366, %shift_right_arithmetic3A_30 : vector<16xi32>
        %gather3A_368 = tpu.vector_load_idx %arg7[%add3A_367] : memref<80xi32, #tpu.memory_space<vmem>>[vector<16xi32>], vector<16xi32>,
        %get3A_369 = arith.constant 304 : index
        %get3A_370 = tpu.vector_load %arg9[%get3A_369] {strides = array<i32>} : memref<320xf32, #tpu.memory_space<vmem>>, vector<16xf32>,
        %mul3A_371 = arith.constant 4 : i32
        %mul3A_372 = vector.broadcast %mul3A_371 : i32 to vector<16xi32>
        %mul3A_373 = arith.muli %gather3A_368, %mul3A_372 : vector<16xi32>
        %add3A_374 = arith.addi %mul3A_373, %and3A_32 : vector<16xi32>
        tpu.vector_store_idx %arg12[%add3A_374], %get3A_370 {add = true} : memref<40000xf32, #tpu.memory_space<vmem>>[vector<16xi32>], vector<16xf32>,
      } else {
      }
    }
    %scan3A_38 = arith.constant 250 : i32
    %barrier3A_39 = arith.constant 0 : index
    tpu.barrier barrier_id(%barrier3A_39)
    %mul3A_40 = arith.constant 320 : i32
    %mul3A_41 = arith.muli %arg1, %mul3A_40 : i32
    %add3A_42 = arith.constant 0 : i32
    %add3A_43 = arith.addi %mul3A_41, %add3A_42 : i32
    "tpu.region"() ({
      %run_scoped3A = tpu.sem_alloc : memref<!tpu.dma_semaphore, #tpu.memory_space<semaphore_mem>>
      %dma_start3A = arith.constant 0 : i32
      %dma_start3A_65 = tpu.memref_slice %arg13[%add3A_43, %dma_start3A] : memref<5248x128xf32, #tpu.memory_space<vmem_shared>> -> memref<64x128xf32, #tpu.memory_space<vmem_shared>>
      %dma_start3A_66 = arith.constant 0 : i32
      %dma_start3A_67 = tpu.memref_slice %arg13[%add3A_43, %dma_start3A_66] : memref<5248x128xf32, #tpu.memory_space<vmem_shared>> -> memref<64x128xf32, #tpu.memory_space<vmem_shared>>
      tpu.enqueue_dma source(%dma_start3A_67 : memref<64x128xf32, #tpu.memory_space<vmem_shared>>) target(%arg11 : memref<64x128xf32, #tpu.memory_space<vmem>>) target_semaphore(%run_scoped3A : memref<!tpu.dma_semaphore, #tpu.memory_space<semaphore_mem>>)
      %dma_wait3A = arith.constant 0 : i32
      %dma_wait3A_68 = tpu.memref_slice %arg13[%add3A_43, %dma_wait3A] : memref<5248x128xf32, #tpu.memory_space<vmem_shared>> -> memref<64x128xf32, #tpu.memory_space<vmem_shared>>
      %dma_wait3A_69 = arith.constant 0 : i32
      %dma_wait3A_70 = tpu.memref_slice %arg13[%add3A_43, %dma_wait3A_69] : memref<5248x128xf32, #tpu.memory_space<vmem_shared>> -> memref<64x128xf32, #tpu.memory_space<vmem_shared>>
      tpu.wait_dma2 semaphore(%run_scoped3A : memref<!tpu.dma_semaphore, #tpu.memory_space<semaphore_mem>>) src(%dma_wait3A_70 : memref<64x128xf32, #tpu.memory_space<vmem_shared>>) dst(%arg11 : memref<64x128xf32, #tpu.memory_space<vmem>>)
      tpu.yield
    }) : () -> ()
    "tpu.region"() ({
      %run_scoped3A = tpu.sem_alloc : memref<!tpu.dma_semaphore, #tpu.memory_space<semaphore_mem>>
      %dma_start3A = arith.constant 0 : i32
      %dma_start3A_65 = tpu.memref_slice %arg5[%arg0, %add3A_43, %dma_start3A] : memref<2x5120x128xf32, #tpu.memory_space<hbm>> -> memref<1x64x128xf32, #tpu.memory_space<hbm>>
      %dma_start3A_66 = tpu.memref_squeeze %dma_start3A_65 : memref<1x64x128xf32, #tpu.memory_space<hbm>> -> memref<64x128xf32, #tpu.memory_space<hbm>>
      %dma_start3A_67 = arith.constant 0 : i32
      %dma_start3A_68 = tpu.memref_slice %arg5[%arg0, %add3A_43, %dma_start3A_67] : memref<2x5120x128xf32, #tpu.memory_space<hbm>> -> memref<1x64x128xf32, #tpu.memory_space<hbm>>
      %dma_start3A_69 = tpu.memref_squeeze %dma_start3A_68 : memref<1x64x128xf32, #tpu.memory_space<hbm>> -> memref<64x128xf32, #tpu.memory_space<hbm>>
      tpu.enqueue_dma source(%arg11 : memref<64x128xf32, #tpu.memory_space<vmem>>) target(%dma_start3A_69 : memref<64x128xf32, #tpu.memory_space<hbm>>) target_semaphore(%run_scoped3A : memref<!tpu.dma_semaphore, #tpu.memory_space<semaphore_mem>>)
      %dma_wait3A = arith.constant 0 : i32
      %dma_wait3A_70 = tpu.memref_slice %arg5[%arg0, %add3A_43, %dma_wait3A] : memref<2x5120x128xf32, #tpu.memory_space<hbm>> -> memref<1x64x128xf32, #tpu.memory_space<hbm>>
      %dma_wait3A_71 = tpu.memref_squeeze %dma_wait3A_70 : memref<1x64x128xf32, #tpu.memory_space<hbm>> -> memref<64x128xf32, #tpu.memory_space<hbm>>
      %dma_wait3A_72 = arith.constant 0 : i32
      %dma_wait3A_73 = tpu.memref_slice %arg5[%arg0, %add3A_43, %dma_wait3A_72] : memref<2x5120x128xf32, #tpu.memory_space<hbm>> -> memref<1x64x128xf32, #tpu.memory_space<hbm>>
      %dma_wait3A_74 = tpu.memref_squeeze %dma_wait3A_73 : memref<1x64x128xf32, #tpu.memory_space<hbm>> -> memref<64x128xf32, #tpu.memory_space<hbm>>
      tpu.wait_dma2 semaphore(%run_scoped3A : memref<!tpu.dma_semaphore, #tpu.memory_space<semaphore_mem>>) src(%arg11 : memref<64x128xf32, #tpu.memory_space<vmem>>) dst(%dma_wait3A_74 : memref<64x128xf32, #tpu.memory_space<hbm>>)
      tpu.yield
    }) : () -> ()
    %mul3A_44 = arith.constant 320 : i32
    %mul3A_45 = arith.muli %arg1, %mul3A_44 : i32
    %add3A_46 = arith.constant 64 : i32
    %add3A_47 = arith.addi %mul3A_45, %add3A_46 : i32
    "tpu.region"() ({
      %run_scoped3A = tpu.sem_alloc : memref<!tpu.dma_semaphore, #tpu.memory_space<semaphore_mem>>
      %dma_start3A = arith.constant 0 : i32
      %dma_start3A_65 = tpu.memref_slice %arg13[%add3A_47, %dma_start3A] : memref<5248x128xf32, #tpu.memory_space<vmem_shared>> -> memref<64x128xf32, #tpu.memory_space<vmem_shared>>
      %dma_start3A_66 = arith.constant 0 : i32
      %dma_start3A_67 = tpu.memref_slice %arg13[%add3A_47, %dma_start3A_66] : memref<5248x128xf32, #tpu.memory_space<vmem_shared>> -> memref<64x128xf32, #tpu.memory_space<vmem_shared>>
      tpu.enqueue_dma source(%dma_start3A_67 : memref<64x128xf32, #tpu.memory_space<vmem_shared>>) target(%arg11 : memref<64x128xf32, #tpu.memory_space<vmem>>) target_semaphore(%run_scoped3A : memref<!tpu.dma_semaphore, #tpu.memory_space<semaphore_mem>>)
      %dma_wait3A = arith.constant 0 : i32
      %dma_wait3A_68 = tpu.memref_slice %arg13[%add3A_47, %dma_wait3A] : memref<5248x128xf32, #tpu.memory_space<vmem_shared>> -> memref<64x128xf32, #tpu.memory_space<vmem_shared>>
      %dma_wait3A_69 = arith.constant 0 : i32
      %dma_wait3A_70 = tpu.memref_slice %arg13[%add3A_47, %dma_wait3A_69] : memref<5248x128xf32, #tpu.memory_space<vmem_shared>> -> memref<64x128xf32, #tpu.memory_space<vmem_shared>>
      tpu.wait_dma2 semaphore(%run_scoped3A : memref<!tpu.dma_semaphore, #tpu.memory_space<semaphore_mem>>) src(%dma_wait3A_70 : memref<64x128xf32, #tpu.memory_space<vmem_shared>>) dst(%arg11 : memref<64x128xf32, #tpu.memory_space<vmem>>)
      tpu.yield
    }) : () -> ()
    "tpu.region"() ({
      %run_scoped3A = tpu.sem_alloc : memref<!tpu.dma_semaphore, #tpu.memory_space<semaphore_mem>>
      %dma_start3A = arith.constant 0 : i32
      %dma_start3A_65 = tpu.memref_slice %arg5[%arg0, %add3A_47, %dma_start3A] : memref<2x5120x128xf32, #tpu.memory_space<hbm>> -> memref<1x64x128xf32, #tpu.memory_space<hbm>>
      %dma_start3A_66 = tpu.memref_squeeze %dma_start3A_65 : memref<1x64x128xf32, #tpu.memory_space<hbm>> -> memref<64x128xf32, #tpu.memory_space<hbm>>
      %dma_start3A_67 = arith.constant 0 : i32
      %dma_start3A_68 = tpu.memref_slice %arg5[%arg0, %add3A_47, %dma_start3A_67] : memref<2x5120x128xf32, #tpu.memory_space<hbm>> -> memref<1x64x128xf32, #tpu.memory_space<hbm>>
      %dma_start3A_69 = tpu.memref_squeeze %dma_start3A_68 : memref<1x64x128xf32, #tpu.memory_space<hbm>> -> memref<64x128xf32, #tpu.memory_space<hbm>>
      tpu.enqueue_dma source(%arg11 : memref<64x128xf32, #tpu.memory_space<vmem>>) target(%dma_start3A_69 : memref<64x128xf32, #tpu.memory_space<hbm>>) target_semaphore(%run_scoped3A : memref<!tpu.dma_semaphore, #tpu.memory_space<semaphore_mem>>)
      %dma_wait3A = arith.constant 0 : i32
      %dma_wait3A_70 = tpu.memref_slice %arg5[%arg0, %add3A_47, %dma_wait3A] : memref<2x5120x128xf32, #tpu.memory_space<hbm>> -> memref<1x64x128xf32, #tpu.memory_space<hbm>>
      %dma_wait3A_71 = tpu.memref_squeeze %dma_wait3A_70 : memref<1x64x128xf32, #tpu.memory_space<hbm>> -> memref<64x128xf32, #tpu.memory_space<hbm>>
      %dma_wait3A_72 = arith.constant 0 : i32
      %dma_wait3A_73 = tpu.memref_slice %arg5[%arg0, %add3A_47, %dma_wait3A_72] : memref<2x5120x128xf32, #tpu.memory_space<hbm>> -> memref<1x64x128xf32, #tpu.memory_space<hbm>>
      %dma_wait3A_74 = tpu.memref_squeeze %dma_wait3A_73 : memref<1x64x128xf32, #tpu.memory_space<hbm>> -> memref<64x128xf32, #tpu.memory_space<hbm>>
      tpu.wait_dma2 semaphore(%run_scoped3A : memref<!tpu.dma_semaphore, #tpu.memory_space<semaphore_mem>>) src(%arg11 : memref<64x128xf32, #tpu.memory_space<vmem>>) dst(%dma_wait3A_74 : memref<64x128xf32, #tpu.memory_space<hbm>>)
      tpu.yield
    }) : () -> ()
    %mul3A_48 = arith.constant 320 : i32
    %mul3A_49 = arith.muli %arg1, %mul3A_48 : i32
    %add3A_50 = arith.constant 128 : i32
    %add3A_51 = arith.addi %mul3A_49, %add3A_50 : i32
    "tpu.region"() ({
      %run_scoped3A = tpu.sem_alloc : memref<!tpu.dma_semaphore, #tpu.memory_space<semaphore_mem>>
      %dma_start3A = arith.constant 0 : i32
      %dma_start3A_65 = tpu.memref_slice %arg13[%add3A_51, %dma_start3A] : memref<5248x128xf32, #tpu.memory_space<vmem_shared>> -> memref<64x128xf32, #tpu.memory_space<vmem_shared>>
      %dma_start3A_66 = arith.constant 0 : i32
      %dma_start3A_67 = tpu.memref_slice %arg13[%add3A_51, %dma_start3A_66] : memref<5248x128xf32, #tpu.memory_space<vmem_shared>> -> memref<64x128xf32, #tpu.memory_space<vmem_shared>>
      tpu.enqueue_dma source(%dma_start3A_67 : memref<64x128xf32, #tpu.memory_space<vmem_shared>>) target(%arg11 : memref<64x128xf32, #tpu.memory_space<vmem>>) target_semaphore(%run_scoped3A : memref<!tpu.dma_semaphore, #tpu.memory_space<semaphore_mem>>)
      %dma_wait3A = arith.constant 0 : i32
      %dma_wait3A_68 = tpu.memref_slice %arg13[%add3A_51, %dma_wait3A] : memref<5248x128xf32, #tpu.memory_space<vmem_shared>> -> memref<64x128xf32, #tpu.memory_space<vmem_shared>>
      %dma_wait3A_69 = arith.constant 0 : i32
      %dma_wait3A_70 = tpu.memref_slice %arg13[%add3A_51, %dma_wait3A_69] : memref<5248x128xf32, #tpu.memory_space<vmem_shared>> -> memref<64x128xf32, #tpu.memory_space<vmem_shared>>
      tpu.wait_dma2 semaphore(%run_scoped3A : memref<!tpu.dma_semaphore, #tpu.memory_space<semaphore_mem>>) src(%dma_wait3A_70 : memref<64x128xf32, #tpu.memory_space<vmem_shared>>) dst(%arg11 : memref<64x128xf32, #tpu.memory_space<vmem>>)
      tpu.yield
    }) : () -> ()
    "tpu.region"() ({
      %run_scoped3A = tpu.sem_alloc : memref<!tpu.dma_semaphore, #tpu.memory_space<semaphore_mem>>
      %dma_start3A = arith.constant 0 : i32
      %dma_start3A_65 = tpu.memref_slice %arg5[%arg0, %add3A_51, %dma_start3A] : memref<2x5120x128xf32, #tpu.memory_space<hbm>> -> memref<1x64x128xf32, #tpu.memory_space<hbm>>
      %dma_start3A_66 = tpu.memref_squeeze %dma_start3A_65 : memref<1x64x128xf32, #tpu.memory_space<hbm>> -> memref<64x128xf32, #tpu.memory_space<hbm>>
      %dma_start3A_67 = arith.constant 0 : i32
      %dma_start3A_68 = tpu.memref_slice %arg5[%arg0, %add3A_51, %dma_start3A_67] : memref<2x5120x128xf32, #tpu.memory_space<hbm>> -> memref<1x64x128xf32, #tpu.memory_space<hbm>>
      %dma_start3A_69 = tpu.memref_squeeze %dma_start3A_68 : memref<1x64x128xf32, #tpu.memory_space<hbm>> -> memref<64x128xf32, #tpu.memory_space<hbm>>
      tpu.enqueue_dma source(%arg11 : memref<64x128xf32, #tpu.memory_space<vmem>>) target(%dma_start3A_69 : memref<64x128xf32, #tpu.memory_space<hbm>>) target_semaphore(%run_scoped3A : memref<!tpu.dma_semaphore, #tpu.memory_space<semaphore_mem>>)
      %dma_wait3A = arith.constant 0 : i32
      %dma_wait3A_70 = tpu.memref_slice %arg5[%arg0, %add3A_51, %dma_wait3A] : memref<2x5120x128xf32, #tpu.memory_space<hbm>> -> memref<1x64x128xf32, #tpu.memory_space<hbm>>
      %dma_wait3A_71 = tpu.memref_squeeze %dma_wait3A_70 : memref<1x64x128xf32, #tpu.memory_space<hbm>> -> memref<64x128xf32, #tpu.memory_space<hbm>>
      %dma_wait3A_72 = arith.constant 0 : i32
      %dma_wait3A_73 = tpu.memref_slice %arg5[%arg0, %add3A_51, %dma_wait3A_72] : memref<2x5120x128xf32, #tpu.memory_space<hbm>> -> memref<1x64x128xf32, #tpu.memory_space<hbm>>
      %dma_wait3A_74 = tpu.memref_squeeze %dma_wait3A_73 : memref<1x64x128xf32, #tpu.memory_space<hbm>> -> memref<64x128xf32, #tpu.memory_space<hbm>>
      tpu.wait_dma2 semaphore(%run_scoped3A : memref<!tpu.dma_semaphore, #tpu.memory_space<semaphore_mem>>) src(%arg11 : memref<64x128xf32, #tpu.memory_space<vmem>>) dst(%dma_wait3A_74 : memref<64x128xf32, #tpu.memory_space<hbm>>)
      tpu.yield
    }) : () -> ()
    %mul3A_52 = arith.constant 320 : i32
    %mul3A_53 = arith.muli %arg1, %mul3A_52 : i32
    %add3A_54 = arith.constant 192 : i32
    %add3A_55 = arith.addi %mul3A_53, %add3A_54 : i32
    "tpu.region"() ({
      %run_scoped3A = tpu.sem_alloc : memref<!tpu.dma_semaphore, #tpu.memory_space<semaphore_mem>>
      %dma_start3A = arith.constant 0 : i32
      %dma_start3A_65 = tpu.memref_slice %arg13[%add3A_55, %dma_start3A] : memref<5248x128xf32, #tpu.memory_space<vmem_shared>> -> memref<64x128xf32, #tpu.memory_space<vmem_shared>>
      %dma_start3A_66 = arith.constant 0 : i32
      %dma_start3A_67 = tpu.memref_slice %arg13[%add3A_55, %dma_start3A_66] : memref<5248x128xf32, #tpu.memory_space<vmem_shared>> -> memref<64x128xf32, #tpu.memory_space<vmem_shared>>
      tpu.enqueue_dma source(%dma_start3A_67 : memref<64x128xf32, #tpu.memory_space<vmem_shared>>) target(%arg11 : memref<64x128xf32, #tpu.memory_space<vmem>>) target_semaphore(%run_scoped3A : memref<!tpu.dma_semaphore, #tpu.memory_space<semaphore_mem>>)
      %dma_wait3A = arith.constant 0 : i32
      %dma_wait3A_68 = tpu.memref_slice %arg13[%add3A_55, %dma_wait3A] : memref<5248x128xf32, #tpu.memory_space<vmem_shared>> -> memref<64x128xf32, #tpu.memory_space<vmem_shared>>
      %dma_wait3A_69 = arith.constant 0 : i32
      %dma_wait3A_70 = tpu.memref_slice %arg13[%add3A_55, %dma_wait3A_69] : memref<5248x128xf32, #tpu.memory_space<vmem_shared>> -> memref<64x128xf32, #tpu.memory_space<vmem_shared>>
      tpu.wait_dma2 semaphore(%run_scoped3A : memref<!tpu.dma_semaphore, #tpu.memory_space<semaphore_mem>>) src(%dma_wait3A_70 : memref<64x128xf32, #tpu.memory_space<vmem_shared>>) dst(%arg11 : memref<64x128xf32, #tpu.memory_space<vmem>>)
      tpu.yield
    }) : () -> ()
    "tpu.region"() ({
      %run_scoped3A = tpu.sem_alloc : memref<!tpu.dma_semaphore, #tpu.memory_space<semaphore_mem>>
      %dma_start3A = arith.constant 0 : i32
      %dma_start3A_65 = tpu.memref_slice %arg5[%arg0, %add3A_55, %dma_start3A] : memref<2x5120x128xf32, #tpu.memory_space<hbm>> -> memref<1x64x128xf32, #tpu.memory_space<hbm>>
      %dma_start3A_66 = tpu.memref_squeeze %dma_start3A_65 : memref<1x64x128xf32, #tpu.memory_space<hbm>> -> memref<64x128xf32, #tpu.memory_space<hbm>>
      %dma_start3A_67 = arith.constant 0 : i32
      %dma_start3A_68 = tpu.memref_slice %arg5[%arg0, %add3A_55, %dma_start3A_67] : memref<2x5120x128xf32, #tpu.memory_space<hbm>> -> memref<1x64x128xf32, #tpu.memory_space<hbm>>
      %dma_start3A_69 = tpu.memref_squeeze %dma_start3A_68 : memref<1x64x128xf32, #tpu.memory_space<hbm>> -> memref<64x128xf32, #tpu.memory_space<hbm>>
      tpu.enqueue_dma source(%arg11 : memref<64x128xf32, #tpu.memory_space<vmem>>) target(%dma_start3A_69 : memref<64x128xf32, #tpu.memory_space<hbm>>) target_semaphore(%run_scoped3A : memref<!tpu.dma_semaphore, #tpu.memory_space<semaphore_mem>>)
      %dma_wait3A = arith.constant 0 : i32
      %dma_wait3A_70 = tpu.memref_slice %arg5[%arg0, %add3A_55, %dma_wait3A] : memref<2x5120x128xf32, #tpu.memory_space<hbm>> -> memref<1x64x128xf32, #tpu.memory_space<hbm>>
      %dma_wait3A_71 = tpu.memref_squeeze %dma_wait3A_70 : memref<1x64x128xf32, #tpu.memory_space<hbm>> -> memref<64x128xf32, #tpu.memory_space<hbm>>
      %dma_wait3A_72 = arith.constant 0 : i32
      %dma_wait3A_73 = tpu.memref_slice %arg5[%arg0, %add3A_55, %dma_wait3A_72] : memref<2x5120x128xf32, #tpu.memory_space<hbm>> -> memref<1x64x128xf32, #tpu.memory_space<hbm>>
      %dma_wait3A_74 = tpu.memref_squeeze %dma_wait3A_73 : memref<1x64x128xf32, #tpu.memory_space<hbm>> -> memref<64x128xf32, #tpu.memory_space<hbm>>
      tpu.wait_dma2 semaphore(%run_scoped3A : memref<!tpu.dma_semaphore, #tpu.memory_space<semaphore_mem>>) src(%arg11 : memref<64x128xf32, #tpu.memory_space<vmem>>) dst(%dma_wait3A_74 : memref<64x128xf32, #tpu.memory_space<hbm>>)
      tpu.yield
    }) : () -> ()
    %mul3A_56 = arith.constant 320 : i32
    %mul3A_57 = arith.muli %arg1, %mul3A_56 : i32
    %add3A_58 = arith.constant 256 : i32
    %add3A_59 = arith.addi %mul3A_57, %add3A_58 : i32
    "tpu.region"() ({
      %run_scoped3A = tpu.sem_alloc : memref<!tpu.dma_semaphore, #tpu.memory_space<semaphore_mem>>
      %dma_start3A = arith.constant 0 : i32
      %dma_start3A_65 = tpu.memref_slice %arg13[%add3A_59, %dma_start3A] : memref<5248x128xf32, #tpu.memory_space<vmem_shared>> -> memref<64x128xf32, #tpu.memory_space<vmem_shared>>
      %dma_start3A_66 = arith.constant 0 : i32
      %dma_start3A_67 = tpu.memref_slice %arg13[%add3A_59, %dma_start3A_66] : memref<5248x128xf32, #tpu.memory_space<vmem_shared>> -> memref<64x128xf32, #tpu.memory_space<vmem_shared>>
      tpu.enqueue_dma source(%dma_start3A_67 : memref<64x128xf32, #tpu.memory_space<vmem_shared>>) target(%arg11 : memref<64x128xf32, #tpu.memory_space<vmem>>) target_semaphore(%run_scoped3A : memref<!tpu.dma_semaphore, #tpu.memory_space<semaphore_mem>>)
      %dma_wait3A = arith.constant 0 : i32
      %dma_wait3A_68 = tpu.memref_slice %arg13[%add3A_59, %dma_wait3A] : memref<5248x128xf32, #tpu.memory_space<vmem_shared>> -> memref<64x128xf32, #tpu.memory_space<vmem_shared>>
      %dma_wait3A_69 = arith.constant 0 : i32
      %dma_wait3A_70 = tpu.memref_slice %arg13[%add3A_59, %dma_wait3A_69] : memref<5248x128xf32, #tpu.memory_space<vmem_shared>> -> memref<64x128xf32, #tpu.memory_space<vmem_shared>>
      tpu.wait_dma2 semaphore(%run_scoped3A : memref<!tpu.dma_semaphore, #tpu.memory_space<semaphore_mem>>) src(%dma_wait3A_70 : memref<64x128xf32, #tpu.memory_space<vmem_shared>>) dst(%arg11 : memref<64x128xf32, #tpu.memory_space<vmem>>)
      tpu.yield
    }) : () -> ()
    "tpu.region"() ({
      %run_scoped3A = tpu.sem_alloc : memref<!tpu.dma_semaphore, #tpu.memory_space<semaphore_mem>>
      %dma_start3A = arith.constant 0 : i32
      %dma_start3A_65 = tpu.memref_slice %arg5[%arg0, %add3A_59, %dma_start3A] : memref<2x5120x128xf32, #tpu.memory_space<hbm>> -> memref<1x64x128xf32, #tpu.memory_space<hbm>>
      %dma_start3A_66 = tpu.memref_squeeze %dma_start3A_65 : memref<1x64x128xf32, #tpu.memory_space<hbm>> -> memref<64x128xf32, #tpu.memory_space<hbm>>
      %dma_start3A_67 = arith.constant 0 : i32
      %dma_start3A_68 = tpu.memref_slice %arg5[%arg0, %add3A_59, %dma_start3A_67] : memref<2x5120x128xf32, #tpu.memory_space<hbm>> -> memref<1x64x128xf32, #tpu.memory_space<hbm>>
      %dma_start3A_69 = tpu.memref_squeeze %dma_start3A_68 : memref<1x64x128xf32, #tpu.memory_space<hbm>> -> memref<64x128xf32, #tpu.memory_space<hbm>>
      tpu.enqueue_dma source(%arg11 : memref<64x128xf32, #tpu.memory_space<vmem>>) target(%dma_start3A_69 : memref<64x128xf32, #tpu.memory_space<hbm>>) target_semaphore(%run_scoped3A : memref<!tpu.dma_semaphore, #tpu.memory_space<semaphore_mem>>)
      %dma_wait3A = arith.constant 0 : i32
      %dma_wait3A_70 = tpu.memref_slice %arg5[%arg0, %add3A_59, %dma_wait3A] : memref<2x5120x128xf32, #tpu.memory_space<hbm>> -> memref<1x64x128xf32, #tpu.memory_space<hbm>>
      %dma_wait3A_71 = tpu.memref_squeeze %dma_wait3A_70 : memref<1x64x128xf32, #tpu.memory_space<hbm>> -> memref<64x128xf32, #tpu.memory_space<hbm>>
      %dma_wait3A_72 = arith.constant 0 : i32
      %dma_wait3A_73 = tpu.memref_slice %arg5[%arg0, %add3A_59, %dma_wait3A_72] : memref<2x5120x128xf32, #tpu.memory_space<hbm>> -> memref<1x64x128xf32, #tpu.memory_space<hbm>>
      %dma_wait3A_74 = tpu.memref_squeeze %dma_wait3A_73 : memref<1x64x128xf32, #tpu.memory_space<hbm>> -> memref<64x128xf32, #tpu.memory_space<hbm>>
      tpu.wait_dma2 semaphore(%run_scoped3A : memref<!tpu.dma_semaphore, #tpu.memory_space<semaphore_mem>>) src(%arg11 : memref<64x128xf32, #tpu.memory_space<vmem>>) dst(%dma_wait3A_74 : memref<64x128xf32, #tpu.memory_space<hbm>>)
      tpu.yield
    }) : () -> ()
    %eq3A_60 = arith.constant 0 : i32
    %eq3A_61 = arith.cmpi eq, %arg0, %eq3A_60 : i32
    %convert_element_type3A_62 = arith.extui %eq3A_61 : i1 to i32
    %cond3A_63 = arith.constant 0 : i32
    %cond3A_64 = arith.cmpi ne, %convert_element_type3A_62, %cond3A_63 : i32
    scf.if %cond3A_64 {
      "tpu.region"() ({
        %run_scoped3A = tpu.sem_alloc : memref<!tpu.dma_semaphore, #tpu.memory_space<semaphore_mem>>
        %dma_start3A = arith.constant 0 : i32
        %dma_start3A_65 = tpu.memref_slice %arg6[%arg1, %dma_start3A] : memref<16x40000xf32, #tpu.memory_space<hbm>> -> memref<1x40000xf32, #tpu.memory_space<hbm>>
        %dma_start3A_66 = tpu.memref_squeeze %dma_start3A_65 : memref<1x40000xf32, #tpu.memory_space<hbm>> -> memref<40000xf32, #tpu.memory_space<hbm>>
        %dma_start3A_67 = arith.constant 0 : i32
        %dma_start3A_68 = tpu.memref_slice %arg6[%arg1, %dma_start3A_67] : memref<16x40000xf32, #tpu.memory_space<hbm>> -> memref<1x40000xf32, #tpu.memory_space<hbm>>
        %dma_start3A_69 = tpu.memref_squeeze %dma_start3A_68 : memref<1x40000xf32, #tpu.memory_space<hbm>> -> memref<40000xf32, #tpu.memory_space<hbm>>
        tpu.enqueue_dma source(%arg12 : memref<40000xf32, #tpu.memory_space<vmem>>) target(%dma_start3A_69 : memref<40000xf32, #tpu.memory_space<hbm>>) target_semaphore(%run_scoped3A : memref<!tpu.dma_semaphore, #tpu.memory_space<semaphore_mem>>)
        %dma_wait3A = arith.constant 0 : i32
        %dma_wait3A_70 = tpu.memref_slice %arg6[%arg1, %dma_wait3A] : memref<16x40000xf32, #tpu.memory_space<hbm>> -> memref<1x40000xf32, #tpu.memory_space<hbm>>
        %dma_wait3A_71 = tpu.memref_squeeze %dma_wait3A_70 : memref<1x40000xf32, #tpu.memory_space<hbm>> -> memref<40000xf32, #tpu.memory_space<hbm>>
        %dma_wait3A_72 = arith.constant 0 : i32
        %dma_wait3A_73 = tpu.memref_slice %arg6[%arg1, %dma_wait3A_72] : memref<16x40000xf32, #tpu.memory_space<hbm>> -> memref<1x40000xf32, #tpu.memory_space<hbm>>
        %dma_wait3A_74 = tpu.memref_squeeze %dma_wait3A_73 : memref<1x40000xf32, #tpu.memory_space<hbm>> -> memref<40000xf32, #tpu.memory_space<hbm>>
        tpu.wait_dma2 semaphore(%run_scoped3A : memref<!tpu.dma_semaphore, #tpu.memory_space<semaphore_mem>>) src(%arg12 : memref<40000xf32, #tpu.memory_space<vmem>>) dst(%dma_wait3A_74 : memref<40000xf32, #tpu.memory_space<hbm>>)
        tpu.yield
      }) : () -> ()
    } else {
    }
    return
  }
}

module attributes {stable_mosaic.version = 14 : i64} {
  func.func @_tables_body(%arg0: memref<10000x128xf32, #tpu.memory_space<vmem>>, %arg1: memref<128x128xf32, #tpu.memory_space<vmem>>, %arg2: memref<128x128xf32, #tpu.memory_space<vmem>>, %arg3: memref<1x128xf32, #tpu.memory_space<vmem>>, %arg4: memref<10000x128xf32, #tpu.memory_space<vmem>>, %arg5: memref<10000x128xf32, #tpu.memory_space<vmem>>) attributes {dimension_semantics = [], scalar_prefetch = 0 : i64, scratch_operands = 0 : i64, tpu.core_type = #tpu.core_type<tc>} {
    %get3A = arith.constant 0 : index
    %get3A_0 = arith.constant 0 : index
    %get3A_1 = vector.load %arg0[%get3A, %get3A_0] : memref<10000x128xf32, #tpu.memory_space<vmem>>, vector<10000x128xf32>
    %get3A_2 = arith.constant 0 : index
    %get3A_3 = arith.constant 0 : index
    %get3A_4 = vector.load %arg1[%get3A_2, %get3A_3] : memref<128x128xf32, #tpu.memory_space<vmem>>, vector<128x128xf32>
    %dot_general3A = arith.constant dense<0.000000e+00> : vector<10000x128xf32>
    %dot_general3A_5 = tpu.matmul %get3A_1, %get3A_4, %dot_general3A {dimension_numbers = #tpu.dot_dimension_numbers<[1], [0], [0], [1], [0, 0, 1, 1], [], []>, transpose_lhs_hint = false} : vector<10000x128xf32>, vector<128x128xf32>, vector<10000x128xf32> -> vector<10000x128xf32>
    %get3A_6 = arith.constant 0 : index
    %get3A_7 = arith.constant 0 : index
    %get3A_8 = vector.load %arg3[%get3A_6, %get3A_7] : memref<1x128xf32, #tpu.memory_space<vmem>>, vector<1x128xf32>
    %add3A = vector.broadcast %get3A_8 : vector<1x128xf32> to vector<10000x128xf32>
    %add3A_9 = arith.addf %dot_general3A_5, %add3A : vector<10000x128xf32>
    %swap3A = arith.constant 0 : index
    %swap3A_10 = arith.constant 0 : index
    %swap3A_11 = vector.load %arg4[%swap3A, %swap3A_10] : memref<10000x128xf32, #tpu.memory_space<vmem>>, vector<10000x128xf32>
    tpu.vector_store %arg4[%swap3A, %swap3A_10], %add3A_9 {strides = array<i32>} : memref<10000x128xf32, #tpu.memory_space<vmem>>, vector<10000x128xf32>,
    %get3A_12 = arith.constant 0 : index
    %get3A_13 = arith.constant 0 : index
    %get3A_14 = vector.load %arg2[%get3A_12, %get3A_13] : memref<128x128xf32, #tpu.memory_space<vmem>>, vector<128x128xf32>
    %dot_general3A_15 = arith.constant dense<0.000000e+00> : vector<10000x128xf32>
    %dot_general3A_16 = tpu.matmul %get3A_1, %get3A_14, %dot_general3A_15 {dimension_numbers = #tpu.dot_dimension_numbers<[1], [0], [0], [1], [0, 0, 1, 1], [], []>, transpose_lhs_hint = false} : vector<10000x128xf32>, vector<128x128xf32>, vector<10000x128xf32> -> vector<10000x128xf32>
    %swap3A_17 = arith.constant 0 : index
    %swap3A_18 = arith.constant 0 : index
    %swap3A_19 = vector.load %arg5[%swap3A_17, %swap3A_18] : memref<10000x128xf32, #tpu.memory_space<vmem>>, vector<10000x128xf32>
    tpu.vector_store %arg5[%swap3A_17, %swap3A_18], %dot_general3A_16 {strides = array<i32>} : memref<10000x128xf32, #tpu.memory_space<vmem>>, vector<10000x128xf32>,
    return
  }
}

module attributes {stable_mosaic.version = 14 : i64} {
  func.func @_edge_body(%arg0: i32, %arg1: memref<2000x128xf32, #tpu.memory_space<vmem>>, %arg2: memref<2000x128xf32, #tpu.memory_space<vmem>>, %arg3: memref<2000x4xf32, #tpu.memory_space<vmem>>, %arg4: memref<2000x16xf32, #tpu.memory_space<vmem>>, %arg5: memref<24x128xf32, #tpu.memory_space<vmem>>, %arg6: memref<128x128xf32, #tpu.memory_space<vmem>>, %arg7: memref<1x128xf32, #tpu.memory_space<vmem>>, %arg8: memref<128x8xf32, #tpu.memory_space<vmem>>, %arg9: memref<1x1xf32, #tpu.memory_space<vmem>>, %arg10: memref<128x128xf32, #tpu.memory_space<vmem>>, %arg11: memref<1x128xf32, #tpu.memory_space<vmem>>, %arg12: memref<128x8xf32, #tpu.memory_space<vmem>>, %arg13: memref<2000x128xf32, #tpu.memory_space<vmem>>, %arg14: memref<2000x16xf32, #tpu.memory_space<vmem>>) attributes {dimension_semantics = [#tpu.dimension_semantics<arbitrary>], iteration_bounds = array<i64: 160>, scalar_prefetch = 0 : i64, scratch_operands = 0 : i64, tpu.core_type = #tpu.core_type<tc>, window_params = [{transform_indices = @transform_0, window_bounds = array<i64: 2000, 128>}, {transform_indices = @transform_1, window_bounds = array<i64: 2000, 128>}, {transform_indices = @transform_2, window_bounds = array<i64: 2000, 4>}, {transform_indices = @transform_3, window_bounds = array<i64: 2000, 16>}, {pipeline_mode = #tpu.pipeline_mode<synchronous>, transform_indices = @transform_4, window_bounds = array<i64: 24, 128>}, {pipeline_mode = #tpu.pipeline_mode<synchronous>, transform_indices = @transform_5, window_bounds = array<i64: 128, 128>}, {pipeline_mode = #tpu.pipeline_mode<synchronous>, transform_indices = @transform_6, window_bounds = array<i64: 1, 128>}, {pipeline_mode = #tpu.pipeline_mode<synchronous>, transform_indices = @transform_7, window_bounds = array<i64: 128, 8>}, {pipeline_mode = #tpu.pipeline_mode<synchronous>, transform_indices = @transform_8, window_bounds = array<i64: 1, 1>}, {pipeline_mode = #tpu.pipeline_mode<synchronous>, transform_indices = @transform_9, window_bounds = array<i64: 128, 128>}, {pipeline_mode = #tpu.pipeline_mode<synchronous>, transform_indices = @transform_10, window_bounds = array<i64: 1, 128>}, {pipeline_mode = #tpu.pipeline_mode<synchronous>, transform_indices = @transform_11, window_bounds = array<i64: 128, 8>}, {transform_indices = @transform_12, window_bounds = array<i64: 2000, 128>}, {transform_indices = @transform_13, window_bounds = array<i64: 2000, 16>}]} {
    %get3A = arith.constant 0 : index
    %get3A_0 = arith.constant 0 : index
    %get3A_1 = vector.load %arg1[%get3A, %get3A_0] : memref<2000x128xf32, #tpu.memory_space<vmem>>, vector<2000x128xf32>
    %get3A_2 = arith.constant 0 : index
    %get3A_3 = arith.constant 0 : index
    %get3A_4 = vector.load %arg2[%get3A_2, %get3A_3] : memref<2000x128xf32, #tpu.memory_space<vmem>>, vector<2000x128xf32>
    %add3A = arith.addf %get3A_1, %get3A_4 : vector<2000x128xf32>
    %get3A_5 = arith.constant 0 : index
    %get3A_6 = arith.constant 0 : index
    %get3A_7 = vector.load %arg3[%get3A_5, %get3A_6] : memref<2000x4xf32, #tpu.memory_space<vmem>>, vector<2000x4xf32>
    %slice3A = vector.extract_strided_slice %get3A_7 {offsets = [0, 0], sizes = [2000, 1], strides = [1, 1]} : vector<2000x4xf32> to vector<2000x1xf32>
    %slice3A_8 = vector.extract_strided_slice %get3A_7 {offsets = [0, 1], sizes = [2000, 3], strides = [1, 1]} : vector<2000x4xf32> to vector<2000x3xf32>
    %get3A_9 = arith.constant 0 : index
    %get3A_10 = arith.constant 0 : index
    %get3A_11 = vector.load %arg4[%get3A_9, %get3A_10] : memref<2000x16xf32, #tpu.memory_space<vmem>>, vector<2000x16xf32>
    %broadcast_in_dim3A = arith.constant 0.000000e+00 : f32
    %broadcast_in_dim3A_12 = vector.broadcast %broadcast_in_dim3A : f32 to vector<2000x7xf32>
    %concatenate3A = tpu.concatenate %slice3A, %get3A_11, %broadcast_in_dim3A_12 in 1 : vector<2000x1xf32>, vector<2000x16xf32>, vector<2000x7xf32> -> vector<2000x24xf32>
    %get3A_13 = arith.constant 0 : index
    %get3A_14 = arith.constant 0 : index
    %get3A_15 = vector.load %arg5[%get3A_13, %get3A_14] : memref<24x128xf32, #tpu.memory_space<vmem>>, vector<24x128xf32>
    %dot_general3A = arith.constant dense<0.000000e+00> : vector<2000x128xf32>
    %dot_general3A_16 = tpu.matmul %concatenate3A, %get3A_15, %dot_general3A {dimension_numbers = #tpu.dot_dimension_numbers<[1], [0], [0], [1], [0, 0, 1, 1], [], []>, transpose_lhs_hint = false} : vector<2000x24xf32>, vector<24x128xf32>, vector<2000x128xf32> -> vector<2000x128xf32>
    %add3A_17 = arith.addf %add3A, %dot_general3A_16 : vector<2000x128xf32>
    %logistic3A = arith.negf %add3A_17 : vector<2000x128xf32>
    %logistic3A_18 = math.exp %logistic3A : vector<2000x128xf32>
    %logistic3A_19 = arith.constant 1.000000e+00 : f32
    %logistic3A_20 = vector.broadcast %logistic3A_19 : f32 to vector<2000x128xf32>
    %logistic3A_21 = arith.addf %logistic3A_20, %logistic3A_18 : vector<2000x128xf32>
    %logistic3A_22 = arith.divf %logistic3A_20, %logistic3A_21 : vector<2000x128xf32>
    %mul3A = arith.mulf %add3A_17, %logistic3A_22 : vector<2000x128xf32>
    %get3A_23 = arith.constant 0 : index
    %get3A_24 = arith.constant 0 : index
    %get3A_25 = vector.load %arg6[%get3A_23, %get3A_24] : memref<128x128xf32, #tpu.memory_space<vmem>>, vector<128x128xf32>
    %dot_general3A_26 = arith.constant dense<0.000000e+00> : vector<2000x128xf32>
    %dot_general3A_27 = tpu.matmul %mul3A, %get3A_25, %dot_general3A_26 {dimension_numbers = #tpu.dot_dimension_numbers<[1], [0], [0], [1], [0, 0, 1, 1], [], []>, transpose_lhs_hint = false} : vector<2000x128xf32>, vector<128x128xf32>, vector<2000x128xf32> -> vector<2000x128xf32>
    %get3A_28 = arith.constant 0 : index
    %get3A_29 = arith.constant 0 : index
    %get3A_30 = vector.load %arg7[%get3A_28, %get3A_29] : memref<1x128xf32, #tpu.memory_space<vmem>>, vector<1x128xf32>
    %add3A_31 = vector.broadcast %get3A_30 : vector<1x128xf32> to vector<2000x128xf32>
    %add3A_32 = arith.addf %dot_general3A_27, %add3A_31 : vector<2000x128xf32>
    %get3A_33 = arith.constant 0 : index
    %get3A_34 = arith.constant 0 : index
    %get3A_35 = vector.load %arg8[%get3A_33, %get3A_34] : memref<128x8xf32, #tpu.memory_space<vmem>>, vector<128x8xf32>
    %dot_general3A_36 = arith.constant dense<0.000000e+00> : vector<2000x8xf32>
    %dot_general3A_37 = tpu.matmul %add3A_32, %get3A_35, %dot_general3A_36 {dimension_numbers = #tpu.dot_dimension_numbers<[1], [0], [0], [1], [0, 0, 1, 1], [], []>, transpose_lhs_hint = false} : vector<2000x128xf32>, vector<128x8xf32>, vector<2000x8xf32> -> vector<2000x8xf32>
    %slice3A_38 = vector.extract_strided_slice %dot_general3A_37 {offsets = [0, 0], sizes = [2000, 1], strides = [1, 1]} : vector<2000x8xf32> to vector<2000x1xf32>
    %get3A_39 = arith.constant 0 : index
    %get3A_40 = arith.constant 0 : index
    %get3A_41 = vector.load %arg9[%get3A_39, %get3A_40] : memref<1x1xf32, #tpu.memory_space<vmem>>, vector<1x1xf32>
    %get3A_42 = vector.extract %get3A_41[0, 0] : f32 from vector<1x1xf32>
    %add3A_43 = vector.broadcast %get3A_42 : f32 to vector<2000x1xf32>
    %add3A_44 = arith.addf %slice3A_38, %add3A_43 : vector<2000x1xf32>
    %logistic3A_45 = arith.negf %add3A_44 : vector<2000x1xf32>
    %logistic3A_46 = math.exp %logistic3A_45 : vector<2000x1xf32>
    %logistic3A_47 = arith.constant 1.000000e+00 : f32
    %logistic3A_48 = vector.broadcast %logistic3A_47 : f32 to vector<2000x1xf32>
    %logistic3A_49 = arith.addf %logistic3A_48, %logistic3A_46 : vector<2000x1xf32>
    %logistic3A_50 = arith.divf %logistic3A_48, %logistic3A_49 : vector<2000x1xf32>
    %mul3A_51 = vector.broadcast %logistic3A_50 : vector<2000x1xf32> to vector<2000x128xf32>
    %mul3A_52 = arith.mulf %add3A_32, %mul3A_51 : vector<2000x128xf32>
    %swap3A = arith.constant 0 : index
    %swap3A_53 = arith.constant 0 : index
    %swap3A_54 = vector.load %arg13[%swap3A, %swap3A_53] : memref<2000x128xf32, #tpu.memory_space<vmem>>, vector<2000x128xf32>
    tpu.vector_store %arg13[%swap3A, %swap3A_53], %mul3A_52 {strides = array<i32>} : memref<2000x128xf32, #tpu.memory_space<vmem>>, vector<2000x128xf32>,
    %get3A_55 = arith.constant 0 : index
    %get3A_56 = arith.constant 0 : index
    %get3A_57 = vector.load %arg10[%get3A_55, %get3A_56] : memref<128x128xf32, #tpu.memory_space<vmem>>, vector<128x128xf32>
    %dot_general3A_58 = arith.constant dense<0.000000e+00> : vector<2000x128xf32>
    %dot_general3A_59 = tpu.matmul %add3A_32, %get3A_57, %dot_general3A_58 {dimension_numbers = #tpu.dot_dimension_numbers<[1], [0], [0], [1], [0, 0, 1, 1], [], []>, transpose_lhs_hint = false} : vector<2000x128xf32>, vector<128x128xf32>, vector<2000x128xf32> -> vector<2000x128xf32>
    %get3A_60 = arith.constant 0 : index
    %get3A_61 = arith.constant 0 : index
    %get3A_62 = vector.load %arg11[%get3A_60, %get3A_61] : memref<1x128xf32, #tpu.memory_space<vmem>>, vector<1x128xf32>
    %add3A_63 = vector.broadcast %get3A_62 : vector<1x128xf32> to vector<2000x128xf32>
    %add3A_64 = arith.addf %dot_general3A_59, %add3A_63 : vector<2000x128xf32>
    %logistic3A_65 = arith.negf %add3A_64 : vector<2000x128xf32>
    %logistic3A_66 = math.exp %logistic3A_65 : vector<2000x128xf32>
    %logistic3A_67 = arith.constant 1.000000e+00 : f32
    %logistic3A_68 = vector.broadcast %logistic3A_67 : f32 to vector<2000x128xf32>
    %logistic3A_69 = arith.addf %logistic3A_68, %logistic3A_66 : vector<2000x128xf32>
    %logistic3A_70 = arith.divf %logistic3A_68, %logistic3A_69 : vector<2000x128xf32>
    %mul3A_71 = arith.mulf %add3A_64, %logistic3A_70 : vector<2000x128xf32>
    %get3A_72 = arith.constant 0 : index
    %get3A_73 = arith.constant 0 : index
    %get3A_74 = vector.load %arg12[%get3A_72, %get3A_73] : memref<128x8xf32, #tpu.memory_space<vmem>>, vector<128x8xf32>
    %dot_general3A_75 = arith.constant dense<0.000000e+00> : vector<2000x8xf32>
    %dot_general3A_76 = tpu.matmul %mul3A_71, %get3A_74, %dot_general3A_75 {dimension_numbers = #tpu.dot_dimension_numbers<[1], [0], [0], [1], [0, 0, 1, 1], [], []>, transpose_lhs_hint = false} : vector<2000x128xf32>, vector<128x8xf32>, vector<2000x8xf32> -> vector<2000x8xf32>
    %slice3A_77 = vector.extract_strided_slice %dot_general3A_76 {offsets = [0, 0], sizes = [2000, 1], strides = [1, 1]} : vector<2000x8xf32> to vector<2000x1xf32>
    %tanh3A = math.tanh %slice3A_77 : vector<2000x1xf32>
    %add3A_78 = arith.constant 9.99999993E-9 : f32
    %add3A_79 = vector.broadcast %add3A_78 : f32 to vector<2000x1xf32>
    %add3A_80 = arith.addf %slice3A, %add3A_79 : vector<2000x1xf32>
    %sqrt3A = math.sqrt %add3A_80 : vector<2000x1xf32>
    %add3A_81 = arith.constant 1.000000e+00 : f32
    %add3A_82 = vector.broadcast %add3A_81 : f32 to vector<2000x1xf32>
    %add3A_83 = arith.addf %sqrt3A, %add3A_82 : vector<2000x1xf32>
    %div3A = arith.divf %tanh3A, %add3A_83 : vector<2000x1xf32>
    %mul3A_84 = vector.broadcast %div3A : vector<2000x1xf32> to vector<2000x3xf32>
    %mul3A_85 = arith.mulf %slice3A_8, %mul3A_84 : vector<2000x3xf32>
    %broadcast_in_dim3A_86 = arith.constant 0.000000e+00 : f32
    %broadcast_in_dim3A_87 = vector.broadcast %broadcast_in_dim3A_86 : f32 to vector<2000x13xf32>
    %concatenate3A_88 = tpu.concatenate %mul3A_85, %broadcast_in_dim3A_87 in 1 : vector<2000x3xf32>, vector<2000x13xf32> -> vector<2000x16xf32>
    %swap3A_89 = arith.constant 0 : index
    %swap3A_90 = arith.constant 0 : index
    %swap3A_91 = vector.load %arg14[%swap3A_89, %swap3A_90] : memref<2000x16xf32, #tpu.memory_space<vmem>>, vector<2000x16xf32>
    tpu.vector_store %arg14[%swap3A_89, %swap3A_90], %concatenate3A_88 {strides = array<i32>} : memref<2000x16xf32, #tpu.memory_space<vmem>>, vector<2000x16xf32>,
    return
  }
  func.func @transform_0(%arg0: i32) -> (i32, i32) {
    %c0_i32 = arith.constant 0 : i32
    %c0_i32_0 = arith.constant 0 : i32
    return %arg0, %c0_i32 : i32, i32
  }
  func.func @transform_1(%arg0: i32) -> (i32, i32) {
    %c0_i32 = arith.constant 0 : i32
    %c0_i32_0 = arith.constant 0 : i32
    return %arg0, %c0_i32 : i32, i32
  }
  func.func @transform_2(%arg0: i32) -> (i32, i32) {
    %c0_i32 = arith.constant 0 : i32
    %c0_i32_0 = arith.constant 0 : i32
    return %arg0, %c0_i32 : i32, i32
  }
  func.func @transform_3(%arg0: i32) -> (i32, i32) {
    %c0_i32 = arith.constant 0 : i32
    %c0_i32_0 = arith.constant 0 : i32
    return %arg0, %c0_i32 : i32, i32
  }
  func.func @transform_4(%arg0: i32) -> (i32, i32) {
    %c0_i32 = arith.constant 0 : i32
    %c0_i32_0 = arith.constant 0 : i32
    %c0_i32_1 = arith.constant 0 : i32
    return %c0_i32, %c0_i32_0 : i32, i32
  }
  func.func @transform_5(%arg0: i32) -> (i32, i32) {
    %c0_i32 = arith.constant 0 : i32
    %c0_i32_0 = arith.constant 0 : i32
    %c0_i32_1 = arith.constant 0 : i32
    return %c0_i32, %c0_i32_0 : i32, i32
  }
  func.func @transform_6(%arg0: i32) -> (i32, i32) {
    %c0_i32 = arith.constant 0 : i32
    %c0_i32_0 = arith.constant 0 : i32
    %c0_i32_1 = arith.constant 0 : i32
    return %c0_i32, %c0_i32_0 : i32, i32
  }
  func.func @transform_7(%arg0: i32) -> (i32, i32) {
    %c0_i32 = arith.constant 0 : i32
    %c0_i32_0 = arith.constant 0 : i32
    %c0_i32_1 = arith.constant 0 : i32
    return %c0_i32, %c0_i32_0 : i32, i32
  }
  func.func @transform_8(%arg0: i32) -> (i32, i32) {
    %c0_i32 = arith.constant 0 : i32
    %c0_i32_0 = arith.constant 0 : i32
    %c0_i32_1 = arith.constant 0 : i32
    return %c0_i32, %c0_i32_0 : i32, i32
  }
  func.func @transform_9(%arg0: i32) -> (i32, i32) {
    %c0_i32 = arith.constant 0 : i32
    %c0_i32_0 = arith.constant 0 : i32
    %c0_i32_1 = arith.constant 0 : i32
    return %c0_i32, %c0_i32_0 : i32, i32
  }
  func.func @transform_10(%arg0: i32) -> (i32, i32) {
    %c0_i32 = arith.constant 0 : i32
    %c0_i32_0 = arith.constant 0 : i32
    %c0_i32_1 = arith.constant 0 : i32
    return %c0_i32, %c0_i32_0 : i32, i32
  }
  func.func @transform_11(%arg0: i32) -> (i32, i32) {
    %c0_i32 = arith.constant 0 : i32
    %c0_i32_0 = arith.constant 0 : i32
    %c0_i32_1 = arith.constant 0 : i32
    return %c0_i32, %c0_i32_0 : i32, i32
  }
  func.func @transform_12(%arg0: i32) -> (i32, i32) {
    %c0_i32 = arith.constant 0 : i32
    %c0_i32_0 = arith.constant 0 : i32
    return %arg0, %c0_i32 : i32, i32
  }
  func.func @transform_13(%arg0: i32) -> (i32, i32) {
    %c0_i32 = arith.constant 0 : i32
    %c0_i32_0 = arith.constant 0 : i32
    return %arg0, %c0_i32 : i32, i32
  }
}

module attributes {stable_mosaic.version = 14 : i64} {
  func.func @_dx_sum_body(%arg0: memref<16x40000xf32, #tpu.memory_space<vmem>>, %arg1: memref<1x40000xf32, #tpu.memory_space<vmem>>) attributes {dimension_semantics = [], scalar_prefetch = 0 : i64, scratch_operands = 0 : i64, tpu.core_type = #tpu.core_type<tc>} {
    %get3A = arith.constant 0 : index
    %get3A_0 = arith.constant 0 : index
    %get3A_1 = vector.load %arg0[%get3A, %get3A_0] : memref<16x40000xf32, #tpu.memory_space<vmem>>, vector<16x40000xf32>
    %reduce_sum3A = arith.constant dense<0.000000e+00> : vector<40000xf32>
    %reduce_sum3A_2 = vector.multi_reduction <add>, %get3A_1, %reduce_sum3A [0] : vector<16x40000xf32> to vector<40000xf32>
    %broadcast_in_dim3A = vector.shape_cast %reduce_sum3A_2 : vector<40000xf32> to vector<1x40000xf32>
    %swap3A = arith.constant 0 : index
    %swap3A_3 = arith.constant 0 : index
    %swap3A_4 = vector.load %arg1[%swap3A, %swap3A_3] : memref<1x40000xf32, #tpu.memory_space<vmem>>, vector<1x40000xf32>
    tpu.vector_store %arg1[%swap3A, %swap3A_3], %broadcast_in_dim3A {strides = array<i32>} : memref<1x40000xf32, #tpu.memory_space<vmem>>, vector<1x40000xf32>,
    return
  }
}

module attributes {stable_mosaic.version = 14 : i64} {
  func.func @_node_body(%arg0: i32, %arg1: memref<2000x128xf32, #tpu.memory_space<vmem>>, %arg2: memref<2000x128xf32, #tpu.memory_space<vmem>>, %arg3: memref<128x128xf32, #tpu.memory_space<vmem>>, %arg4: memref<128x128xf32, #tpu.memory_space<vmem>>, %arg5: memref<1x128xf32, #tpu.memory_space<vmem>>, %arg6: memref<128x128xf32, #tpu.memory_space<vmem>>, %arg7: memref<1x128xf32, #tpu.memory_space<vmem>>, %arg8: memref<2000x128xf32, #tpu.memory_space<vmem>>) attributes {dimension_semantics = [#tpu.dimension_semantics<arbitrary>], iteration_bounds = array<i64: 5>, scalar_prefetch = 0 : i64, scratch_operands = 0 : i64, tpu.core_type = #tpu.core_type<tc>, window_params = [{transform_indices = @transform_0, window_bounds = array<i64: 2000, 128>}, {transform_indices = @transform_1, window_bounds = array<i64: 2000, 128>}, {pipeline_mode = #tpu.pipeline_mode<synchronous>, transform_indices = @transform_2, window_bounds = array<i64: 128, 128>}, {pipeline_mode = #tpu.pipeline_mode<synchronous>, transform_indices = @transform_3, window_bounds = array<i64: 128, 128>}, {pipeline_mode = #tpu.pipeline_mode<synchronous>, transform_indices = @transform_4, window_bounds = array<i64: 1, 128>}, {pipeline_mode = #tpu.pipeline_mode<synchronous>, transform_indices = @transform_5, window_bounds = array<i64: 128, 128>}, {pipeline_mode = #tpu.pipeline_mode<synchronous>, transform_indices = @transform_6, window_bounds = array<i64: 1, 128>}, {transform_indices = @transform_7, window_bounds = array<i64: 2000, 128>}]} {
    %get3A = arith.constant 0 : index
    %get3A_0 = arith.constant 0 : index
    %get3A_1 = vector.load %arg1[%get3A, %get3A_0] : memref<2000x128xf32, #tpu.memory_space<vmem>>, vector<2000x128xf32>
    %get3A_2 = arith.constant 0 : index
    %get3A_3 = arith.constant 0 : index
    %get3A_4 = vector.load %arg2[%get3A_2, %get3A_3] : memref<2000x128xf32, #tpu.memory_space<vmem>>, vector<2000x128xf32>
    %get3A_5 = arith.constant 0 : index
    %get3A_6 = arith.constant 0 : index
    %get3A_7 = vector.load %arg3[%get3A_5, %get3A_6] : memref<128x128xf32, #tpu.memory_space<vmem>>, vector<128x128xf32>
    %dot_general3A = arith.constant dense<0.000000e+00> : vector<2000x128xf32>
    %dot_general3A_8 = tpu.matmul %get3A_1, %get3A_7, %dot_general3A {dimension_numbers = #tpu.dot_dimension_numbers<[1], [0], [0], [1], [0, 0, 1, 1], [], []>, transpose_lhs_hint = false} : vector<2000x128xf32>, vector<128x128xf32>, vector<2000x128xf32> -> vector<2000x128xf32>
    %get3A_9 = arith.constant 0 : index
    %get3A_10 = arith.constant 0 : index
    %get3A_11 = vector.load %arg4[%get3A_9, %get3A_10] : memref<128x128xf32, #tpu.memory_space<vmem>>, vector<128x128xf32>
    %dot_general3A_12 = arith.constant dense<0.000000e+00> : vector<2000x128xf32>
    %dot_general3A_13 = tpu.matmul %get3A_4, %get3A_11, %dot_general3A_12 {dimension_numbers = #tpu.dot_dimension_numbers<[1], [0], [0], [1], [0, 0, 1, 1], [], []>, transpose_lhs_hint = false} : vector<2000x128xf32>, vector<128x128xf32>, vector<2000x128xf32> -> vector<2000x128xf32>
    %add3A = arith.addf %dot_general3A_8, %dot_general3A_13 : vector<2000x128xf32>
    %get3A_14 = arith.constant 0 : index
    %get3A_15 = arith.constant 0 : index
    %get3A_16 = vector.load %arg5[%get3A_14, %get3A_15] : memref<1x128xf32, #tpu.memory_space<vmem>>, vector<1x128xf32>
    %add3A_17 = vector.broadcast %get3A_16 : vector<1x128xf32> to vector<2000x128xf32>
    %add3A_18 = arith.addf %add3A, %add3A_17 : vector<2000x128xf32>
    %logistic3A = arith.negf %add3A_18 : vector<2000x128xf32>
    %logistic3A_19 = math.exp %logistic3A : vector<2000x128xf32>
    %logistic3A_20 = arith.constant 1.000000e+00 : f32
    %logistic3A_21 = vector.broadcast %logistic3A_20 : f32 to vector<2000x128xf32>
    %logistic3A_22 = arith.addf %logistic3A_21, %logistic3A_19 : vector<2000x128xf32>
    %logistic3A_23 = arith.divf %logistic3A_21, %logistic3A_22 : vector<2000x128xf32>
    %mul3A = arith.mulf %add3A_18, %logistic3A_23 : vector<2000x128xf32>
    %get3A_24 = arith.constant 0 : index
    %get3A_25 = arith.constant 0 : index
    %get3A_26 = vector.load %arg6[%get3A_24, %get3A_25] : memref<128x128xf32, #tpu.memory_space<vmem>>, vector<128x128xf32>
    %dot_general3A_27 = arith.constant dense<0.000000e+00> : vector<2000x128xf32>
    %dot_general3A_28 = tpu.matmul %mul3A, %get3A_26, %dot_general3A_27 {dimension_numbers = #tpu.dot_dimension_numbers<[1], [0], [0], [1], [0, 0, 1, 1], [], []>, transpose_lhs_hint = false} : vector<2000x128xf32>, vector<128x128xf32>, vector<2000x128xf32> -> vector<2000x128xf32>
    %add3A_29 = arith.addf %get3A_4, %dot_general3A_28 : vector<2000x128xf32>
    %get3A_30 = arith.constant 0 : index
    %get3A_31 = arith.constant 0 : index
    %get3A_32 = vector.load %arg7[%get3A_30, %get3A_31] : memref<1x128xf32, #tpu.memory_space<vmem>>, vector<1x128xf32>
    %add3A_33 = vector.broadcast %get3A_32 : vector<1x128xf32> to vector<2000x128xf32>
    %add3A_34 = arith.addf %add3A_29, %add3A_33 : vector<2000x128xf32>
    %swap3A = arith.constant 0 : index
    %swap3A_35 = arith.constant 0 : index
    %swap3A_36 = vector.load %arg8[%swap3A, %swap3A_35] : memref<2000x128xf32, #tpu.memory_space<vmem>>, vector<2000x128xf32>
    tpu.vector_store %arg8[%swap3A, %swap3A_35], %add3A_34 {strides = array<i32>} : memref<2000x128xf32, #tpu.memory_space<vmem>>, vector<2000x128xf32>,
    return
  }
  func.func @transform_0(%arg0: i32) -> (i32, i32) {
    %c0_i32 = arith.constant 0 : i32
    %c0_i32_0 = arith.constant 0 : i32
    return %arg0, %c0_i32 : i32, i32
  }
  func.func @transform_1(%arg0: i32) -> (i32, i32) {
    %c0_i32 = arith.constant 0 : i32
    %c0_i32_0 = arith.constant 0 : i32
    return %arg0, %c0_i32 : i32, i32
  }
  func.func @transform_2(%arg0: i32) -> (i32, i32) {
    %c0_i32 = arith.constant 0 : i32
    %c0_i32_0 = arith.constant 0 : i32
    %c0_i32_1 = arith.constant 0 : i32
    return %c0_i32, %c0_i32_0 : i32, i32
  }
  func.func @transform_3(%arg0: i32) -> (i32, i32) {
    %c0_i32 = arith.constant 0 : i32
    %c0_i32_0 = arith.constant 0 : i32
    %c0_i32_1 = arith.constant 0 : i32
    return %c0_i32, %c0_i32_0 : i32, i32
  }
  func.func @transform_4(%arg0: i32) -> (i32, i32) {
    %c0_i32 = arith.constant 0 : i32
    %c0_i32_0 = arith.constant 0 : i32
    %c0_i32_1 = arith.constant 0 : i32
    return %c0_i32, %c0_i32_0 : i32, i32
  }
  func.func @transform_5(%arg0: i32) -> (i32, i32) {
    %c0_i32 = arith.constant 0 : i32
    %c0_i32_0 = arith.constant 0 : i32
    %c0_i32_1 = arith.constant 0 : i32
    return %c0_i32, %c0_i32_0 : i32, i32
  }
  func.func @transform_6(%arg0: i32) -> (i32, i32) {
    %c0_i32 = arith.constant 0 : i32
    %c0_i32_0 = arith.constant 0 : i32
    %c0_i32_1 = arith.constant 0 : i32
    return %c0_i32, %c0_i32_0 : i32, i32
  }
  func.func @transform_7(%arg0: i32) -> (i32, i32) {
    %c0_i32 = arith.constant 0 : i32
    %c0_i32_0 = arith.constant 0 : i32
    return %arg0, %c0_i32 : i32, i32
  }
}

</mosaic_0001>

<sc_bundles>
// kernel: kernel.11.cloned.1.call-start
scs
__scs_entry_jumppad:
0x0: {  	(pc) =	sbr.rel $0x88, $3  }
0x1: {  	(tag) =	ssettag $0x0;
	lr =	simm.s32 $0x1  }
0x2: {  	[smem:$0x3F90] =	sst lr;
	_ =	strace $0xD0000000  }
0x3: {  	_ = 	snop  }
0x4: {  	_ = 	snop  }
0x5: {  	_ = 	snop  }
0x6: {  	_ = 	snop  }
0x7: {  	_ = 	snop  }
__scs_overlays_trampoline_lowered:
0x8: {  	[smem:$0x3F9F] =	sst s0  }
0x9: {  	[smem:$0x3FA0] =	sst s1  }
0xa: {  	[smem:$0x3FA1] =	sst s2  }
0xb: {  	[smem:$0x3FA2] =	sst s3  }
0xc: {  	[smem:$0x3FA3] =	sst s4  }
0xd: {  	[smem:$0x3FA4] =	sst s5  }
0xe: {  	[smem:$0x3FA5] =	sst s6  }
0xf: {  	[smem:$0x3FA6] =	sst s7  }
0x10: {  	[smem:$0x3FA7] =	sst s8  }
0x11: {  	[smem:$0x3FA8] =	sst s9;
	s0 =	simm.s32 @!p0 $0x0  }
0x12: {  	s1 =	sld [smem:$0x3F8E];
	s0 =	simm.s32 @p0 $0x1  }
0x13: {  	[smem:$0x3FA9] =	sst s0;
	s0 =	simm.s32 @!p1 $0x0  }
0x14: {  	s2 =	sld [smem:$0x3F8D];
	s0 =	simm.s32 @p1 $0x1  }
0x15: {  	[smem:$0x3FAA] =	sst s0;
	s0 =	simm.s32 @!p2 $0x0  }
0x16: {  	s3 =	sld [smem:$0x3FDB];
	s0 =	simm.s32 @p2 $0x1  }
0x17: {  	s4 =	simm.s32 $0x1BF5;
	[smem:$0x3FAC] =	sst s0  }
0x18: {  	s0 =	sld [smem:$0x3F8F];
	_ =	swait.ge [sflag:s4], $0x0  }
0x19: {  	s7 =	sld [smem:$0x3F90]  }
0x1a: {  	s8 =	sadd.s32 $0xFFFFE003, lr  }
0x1b: {  	s9 =	sadd.s32 $0xFFFFFEF7, lr;
	s5 =	simm.s32 $0xFFFFFFFF;
	p2 =	slt.u32 s8, $0xFFFFF086  }
0x1c: {  	p1 =	slt.u32 s9, $0xF7A;
	s5 =	simm.s32 @!p2 $0x0  }
0x1d: {  	s5 =	simm.s32 @p1 $0x1;
	p0 =	seq.s32 s7, s2  }
0x1e: {  	s7 =	smul.u32 @!p0 $0xF7A, s2;
	p2 =	seq.s32 @!p0 s5, $0x0  }
0x1f: {  	s9 =	smul.u32 $0xF7A, s1;
	s8 =	simm.s32 @!p0 $0x1BF5;
	p2 =	por !p2, p0  }
0x20: {  	[sflag:s8] =	ssyncset.s32 @!p0 $0xFFFFF086;
	s6 =	sadd.s32 @!p0 s3, s7;
	s7 =	simm.s32 @!p0 $0x108  }
0x21: {  	s3 =	sadd.s32 s3, s9;
	s6 =	sadd.s32 @!p0 $0x88, s6;
	s7 =	simm.s32 @p2 $0x1082  }
0x22: {  	[simem:s7], [sflag:s8] =	dma.local @!p0 [hbm:s6], $0xF7A  }
0x23: {  	s9 =	sor.u32 $0xD0000000, s2;
	s6 =	simm.s32 $0x108;
	_ =	swait.ge @!p0 [sflag:s8], $0x0  }
0x24: {  	s3 =	sadd.s32 $0x88, s3;
	s6 =	simm.s32 @!p1 $0x1082;
	[sflag:s4] =	ssyncset.s32 $0xFFFFF086  }
0x25: {  	[simem:s6], [sflag:s4] =	dma.local [hbm:s3], $0xF7A  }
0x26: {  	[smem:$0x3F90] =	sst s1;
	(tag) =	ssettag s2;
	_ =	strace s9  }
0x27: {  	s1 =	sld [smem:$0x3FA0]  }
0x28: {  	s2 =	sld [smem:$0x3FA1]  }
0x29: {  	s4 =	sld [smem:$0x3FA3]  }
0x2a: {  	p0 =	seq.s32 s5, $0x0;
	s5 =	sld [smem:$0x3FA4]  }
0x2b: {  	s6 =	sld [smem:$0x3FA5]  }
0x2c: {  	s7 =	sld [smem:$0x3FA6]  }
0x2d: {  	s3 =	simm.s32 $0x108;
	s8 =	sld [smem:$0x3FA7]  }
0x2e: {  	s3 =	simm.s32 @!p0 $0x1082;
	s9 =	sld [smem:$0x3FA8]  }
0x2f: {  	lr =	sadd.s32 s0, s3;
	s0 =	sld [smem:$0x3F9F]  }
0x30: {  	s3 =	sld [smem:$0x3FA2]  }
0x31: {  	[smem:$0x3FAB] =	sst s10  }
0x32: {  	s10 =	sld [smem:$0x3FA9];
	_ =	sdelay $0x3  }
0x33: {  	p0 =	seq.s32 s10, $0x1;
	s10 =	sld [smem:$0x3FAB];
	_ =	sdelay $0x3  }
0x34: {  	[smem:$0x3FAB] =	sst s10  }
0x35: {  	s10 =	sld [smem:$0x3FAA];
	_ =	sdelay $0x3  }
0x36: {  	p1 =	seq.s32 s10, $0x1;
	s10 =	sld [smem:$0x3FAB];
	_ =	sdelay $0x3  }
0x37: {  	[smem:$0x3FAB] =	sst s10  }
0x38: {  	s10 =	sld [smem:$0x3FAC]  }
0x39: {  	_ = 	snop;
	(pc) =	sbr.ind lr, $3  }
0x3a: {  	_ = 	snop  }
0x3b: {  	_ = 	snop  }
0x3c: {  	p2 =	seq.s32 s10, $0x1;
	s10 =	sld [smem:$0x3FAB]  }
0x3d: {  	_ =	shalt  }
0x3e: {  	_ =	shalt  }
0x3f: {  	_ =	shalt  }
0x40: {  	_ =	shalt  }
0x41: {  	_ =	shalt  }
0x42: {  	_ =	shalt  }
0x43: {  	_ =	shalt  }
0x44: {  	_ =	shalt  }
0x45: {  	_ =	shalt  }
0x46: {  	_ =	shalt  }
0x47: {  	_ =	shalt  }
0x48: {  	_ =	shalt  }
0x49: {  	_ =	shalt  }
0x4a: {  	_ =	shalt  }
0x4b: {  	_ =	shalt  }
0x4c: {  	_ =	shalt  }
0x4d: {  	_ =	shalt  }
0x4e: {  	_ =	shalt  }
0x4f: {  	_ =	shalt  }
0x50: {  	_ =	shalt  }
0x51: {  	_ =	shalt  }
0x52: {  	_ =	shalt  }
0x53: {  	_ =	shalt  }
0x54: {  	_ =	shalt  }
0x55: {  	_ =	shalt  }
0x56: {  	_ =	shalt  }
0x57: {  	_ =	shalt  }
0x58: {  	_ =	shalt  }
0x59: {  	_ =	shalt  }
0x5a: {  	_ =	shalt  }
0x5b: {  	_ =	shalt  }
0x5c: {  	_ =	shalt  }
0x5d: {  	_ =	shalt  }
0x5e: {  	_ =	shalt  }
0x5f: {  	_ =	shalt  }
0x60: {  	_ =	shalt  }
0x61: {  	_ =	shalt  }
0x62: {  	_ =	shalt  }
0x63: {  	_ =	shalt  }
0x64: {  	_ =	shalt  }
0x65: {  	_ =	shalt  }
0x66: {  	_ =	shalt  }
0x67: {  	_ =	shalt  }
0x68: {  	_ =	shalt  }
0x69: {  	_ =	shalt  }
0x6a: {  	_ =	shalt  }
0x6b: {  	_ =	shalt  }
0x6c: {  	_ =	shalt  }
0x6d: {  	_ =	shalt  }
0x6e: {  	_ =	shalt  }
0x6f: {  	_ =	shalt  }
0x70: {  	_ =	shalt  }
0x71: {  	_ =	shalt  }
0x72: {  	_ =	shalt  }
0x73: {  	_ =	shalt  }
0x74: {  	_ =	shalt  }
0x75: {  	_ =	shalt  }
0x76: {  	_ =	shalt  }
0x77: {  	_ =	shalt  }
0x78: {  	_ =	shalt  }
0x79: {  	_ =	shalt  }
0x7a: {  	_ =	shalt  }
0x7b: {  	_ =	shalt  }
0x7c: {  	_ =	shalt  }
0x7d: {  	_ =	shalt  }
0x7e: {  	_ =	shalt  }
0x7f: {  	_ =	shalt  }
0x80: {  	_ =	shalt  }
0x81: {  	_ =	shalt  }
0x82: {  	_ =	shalt  }
0x83: {  	_ =	shalt  }
0x84: {  	_ =	shalt  }
0x85: {  	_ =	shalt  }
0x86: {  	_ =	shalt  }
0x87: {  	_ =	shalt  }
.Lfunc_end0:
.L_simem_size_0:
called_computation.1_lowered:
.L_overlay_start_0:
0x88: {  	s2 =	sld [smem:$0x3FD9]  }
0x89: {  	s3 =	sld [smem:$0x3FFE];
	_ =	sdelay $0x1  }
0x8a: {  	s1 =	srdreg.scid  }
0x8b: {  	s0 =	sand.u32 $0x1, s1  }
0x8c: {  	s14 =	sshll.u32 s0, $0xA;
	s2 =	sadd.s32 s3, s2  }
0x8d: {  	s2 =	sadd.s32 s2, s14  }
0x8e: {  	[smem:$0x3FB7] =	sst s2  }
0x8f: {  	_ = 	snop  }
0x90: {  	s2 =	sld [smem:$0x3FD0];
	_ =	sdelay $0x2  }
0x91: {  	s15 =	simm.s32 $0xA;
	s4 =	simm.s32 $0x10  }
0x92: {  	[smem:s4], [sflag:s15] =	dma.local [hbm:s2], $0x1  }
0x93: {  	_ =	swait.eq [sflag:s15], $0x1  }
0x94: {  	[sflag:s15] =	ssyncset.done $0x0  }
0x95: {  	[sflag:s15] =	ssyncadd.s32 $0xFFFFFFFF  }
0x96: {  	s16 =	sld [smem:$0x10];
	(tm) =	ssettm $0x1  }
0x97: {  	s17 =	sld [smem:$0x3FFB];
	_ =	sdelay $0x3  }
0x98: {  	_ =	strace s17  }
0x99: {  	s3 =	sld [smem:$0x3FFC];
	_ =	sdelay $0x3  }
0x9a: {  	_ =	strace s3  }
0x9b: {  	s3 =	sld [smem:$0x3FFD];
	_ =	sdelay $0x3  }
0x9c: {  	_ =	strace s3  }
0x9d: {  	_ =	strace $0x8FFFFFFF  }
0x9e: {  	s18 =	sld [smem:$0x3FDB];
	_ =	sdelay $0x1  }
0x9f: {  	s19 =	simm.s32 $_scs_section_size  }
0xa0: {  	s5 =	simm.s32 $_size__tile_overlayer_lowered;
	s6 =	simm.s32 $_tile_overlayer_lowered  }
0xa1: {  	s22 =	simm.s32 $0x1BFF;
	s21 =	sshll.u32 s6, $0x1;
	s3 =	sadd.s32 s19, s18  }
0xa2: {  	s7 =	simm.s32 $0x0;
	s20 =	sshll.u32 s5, $0x1;
	s5 =	sadd.s32 s21, s3  }
0xa3: {  	[timem:s7], [sflag:s22] =	dma.local [hbm:s5], s20  }
0xa4: {  	_ =	swait.ge [sflag:s22], s20  }
0xa5: {  	s4 =	ssub.s32 $0x0, s20;
	[sflag:s22] =	ssyncset.done $0x0  }
0xa6: {  	[sflag:s22] =	ssyncadd.s32 s4;
	_ =	sdelay $0x1  }
0xa7: {  	s23 =	simm.s32 $0x1B8B  }
0xa8: {  	_ =	swait.ge [sflag:s23], $0x1  }
0xa9: {  	[sflag:s23] =	ssyncset.done $0x0  }
0xaa: {  	s25 =	simm.s32 $0x1B8E;
	s24 =	sld [smem:$0x3FFE];
	[sflag:s23] =	ssyncadd.s32 $0xFFFFFFFF  }
0xab: {  	s26 =	simm.s32 $execute0_lowered;
	[smem:$0x3FD2] =	sst s25  }
0xac: {  	s5 =	sshll.u32 s26, $0x1;
	_ =	strace $0x80000049;
	[dreg:$0x1] =	wrdreg $0xFFFFFFFF  }
0xad: {  	s28 =	simm.s32 $_size_execute0_lowered;
	s3 =	sadd.s32 s3, s5;
	[dreg:$0x0] =	wrdreg $0x0  }
0xae: {  	s5 =	sshll.u32 s28, $0x1;
	[dreg:$0x2] =	wrdreg s3  }
0xaf: {  	[dreg:$0x3] =	wrdreg s5  }
0xb0: {  	[dreg:$0x4] =	wrdreg $0xC0  }
0xb1: {  	_ =	task [dreg:s7], $0x5FFFF  }
0xb2: {  	[dreg:$0x1] =	wrdreg $0xFFFFFFFF  }
0xb3: {  	[dreg:$0x0] =	wrdreg $0x60  }
0xb4: {  	[dreg:$0x2] =	wrdreg s24  }
0xb5: {  	[dreg:$0x3] =	wrdreg s16  }
0xb6: {  	[dreg:$0x4] =	wrdreg $0xE7000  }
0xb7: {  	[dreg:$0x5] =	wrdreg $0x9  }
0xb8: {  	_ =	task.clear_ibuf [dreg:s7], $0x6FFFF;
	_ =	strace $0x90000049  }
0xb9: {  	s29 =	simm.s32 $0x9;
	_ =	strace $0x8000004B  }
0xba: {  	_ =	swait.ge [sflag:s29], $0x1  }
0xbb: {  	[sflag:s29] =	ssyncadd.s32 $0xFFFFFFFF  }
0xbc: {  	_ =	strace $0x9000004B  }
0xbd: {  	_ =	sfence  }
0xbe: {  	s30 =	sld [smem:$0x0];
	_ =	sdelay $0x2  }
0xbf: {  	s31 =	sshll.u32 s1, $0xD;
	s1 =	sshrl.u32 s1, $0x2  }
0xc0: {  	s3 =	sand.u32 $0x4000, s31;
	s1 =	sadd.s32 s1, s30  }
0xc1: {  	s0 =	sor.u32 s3, s0;
	s1 =	sshll.u32 s1, $0x11  }
0xc2: {  	s0 =	sor.u32 s1, s0  }
0xc3: {  	s0 =	sadd.s32 $0x8F2B, s0  }
0xc4: {  	[sflag:s0] =	ssyncadd.remote.s32 $0x1  }
0xc5: {  	_ =	sfence.sel $0xFFFF  }
0xc6: {  	[dreg:$0x0] =	wrdreg $0xFFFFFFFF;
	(pc) =	sbr.abs _section_cstart, $3  }
0xc7: {  	[dreg:$0x1] =	wrdreg $0xFFFFFFFF  }
0xc8: {  	_ =	task.clear_ibuf [dreg:s7], $0x2FFFF;
	_ =	strace $0x9FFFFFFF  }
0xc9: {  	(tm) =	ssettm $0x7FFFFFFF  }
tec
execute0_lowered:
.L_overlay_start_1:
0x0: {  	(tag) =	ssettag $0x1  }
0x1: {  	s4 =	rddreg [dreg:$0x0]  }
0x2: {  	s17 =	rddreg [dreg:$0x1]  }
0x3: {  	s2 =	rddreg [dreg:$0x2];
	s1 =	stileid.u32  }
0x4: {  	s0 =	rddreg [dreg:$0x3];
	s5 =	smul.u32 $0x4E200, s1  }
0x5: {  	s3 =	simm.s32 $0x0;
	s7 =	srdreg.scid;
	s6 =	smul.u32 $0x9C4, s1  }
0x6: {  	[smem:$0x7FF] =	sst s3;
	s26 =	smul.u32 $0x28000, s1  }
0x7: {  	s23 =	sshrl.u32 s1, $0x3;
	s24 =	sshll.u32 s1, $0x7;
	s9 =	smul.u32 $0xA000, s1  }
0x8: {  	s13 =	sadd.s32 $0x2D000, s4;
	s19 =	sand.u32 $0x1, s7;
	s31 =	smul.u32 $0x2710, s1  }
0x9: {  	_ =	strace $0x8000004A;
	s25 =	ssub.s32 $0x2, s19;
	s10 =	smul.u32 $0x1400, s19  }
0xa: {  	s20 =	smul.u32 $0xA0000, s19;
	p0 =	sne.s32 s19, $0x0;
	s19 =	simm.s32 $0x2A80  }
0xb: {  	s16 =	sadd.s32 s5, s4;
	s18 =	sadd.s32 s6, s4;
	s5 =	smul.u32 $0x4E400, s23  }
0xc: {  	s6 =	sand.u32 $0x380, s24;
	s8 =	sshrl.u32 s25, $0x1;
	s28 =	sshrl.u32 s26, $0x2  }
0xd: {  	s11 =	sadd.s32 $0x2000, s9;
	s12 =	sadd.s32 $0x4000, s9;
	s21 =	sadd.s32 $0x6000, s9  }
0xe: {  	s22 =	sadd.s32 $0x8000, s9;
	s17 =	sadd.s32 s31, s17;
	s24 =	simm.s32 $0x2880  }
0xf: {  	s26 =	simm.s32 $0x0;
	s15 =	ssub.s32 s25, s8;
	s7 =	sadd.s32 s21, s2  }
0x10: {  	s8 =	sadd.s32 s22, s2;
	s9 =	sadd.s32 s9, s20;
	s23 =	sadd.s32 $0x1400, s10  }
0x11: {  	s30 =	sadd.s32 s20, s21;
	s16 =	sadd.s32 $0x18D2E00, s16;
	s18 =	sadd.s32 $0xF800, s18  }
0x12: {  	v4 =	vlaneseq.u32;
	s21 =	simm.s32 $0x80;
	s25 =	simm.s32 $0x4A80;
	s5 =	sor.u32 s6, s5  }
0x13: {  	v3 =	vimm.f32 $0.0e+00;
	v2 =	vshrl.u32 v4, $0x2;
	v4 =	vand.u32 $0x3, v4;
	s6 =	sadd.s32 s12, s2;
	s9 =	sshrl.u32 s9, $0x3;
	s12 =	sadd.s32 s20, s12  }
0x14: {  	v5 =	vor.u32 $0x4, v2;
	v6 =	vor.u32 $0x8, v2;
	v1 =	vmov s23;
	s15 =	smax.u32 s15, $0x1;
	s23 =	simm.s32 $0x2A00;
	s5 =	sshrl.u32 s5, $0x3  }
0x15: {  	v7 =	vor.u32 $0xC, v2;
	v8 =	vor.u32 $0x10, v2;
	v9 =	vor.u32 $0x14, v2;
	s9 =	sadd.s32 s13, s9;
	s29 =	sshrl.u32 s12, $0x3;
	s12 =	sshrl.u32 s30, $0x3  }
.Ltmp0:
0x16: {  	v10 =	vor.u32 $0x18, v2;
	v11 =	vor.u32 $0x1C, v2;
	v12 =	vor.u32 $0x20, v2;
	s14 =	sadd.s32 s5, s4;
	s4 =	sadd.s32 s28, s2;
	(pc) =	sbr.rel .LBB2_1-.Ltmp0, $4  }
0x17: {  	v13 =	vor.u32 $0x24, v2;
	v14 =	vor.u32 $0x28, v2;
	v15 =	vor.u32 $0x2C, v2;
	s5 =	sadd.s32 s11, s2;
	s11 =	sadd.s32 s20, s11;
	s20 =	sadd.s32 s20, s22  }
0x18: {  	v16 =	vor.u32 $0x30, v2;
	v17 =	vor.u32 $0x34, v2;
	v18 =	vor.u32 $0x38, v2;
	s12 =	sadd.s32 s13, s12;
	s22 =	simm.s32 $0x50;
	s11 =	sshrl.u32 s11, $0x3  }
0x19: {  	v19 =	vor.u32 $0x3C, v2;
	v20 =	vor.u32 $0x40, v2;
	v0 =	vmov s10;
	s20 =	sshrl.u32 s20, $0x3;
	s14 =	sadd.s32 $0x19600, s14;
	s10 =	sadd.s32 s13, s11  }
0x1a: {  	v21 =	vor.u32 $0x44, v2;
	v22 =	vor.u32 $0x48, v2;
	v23 =	vor.u32 $0x4C, v2;
	s11 =	sadd.s32 s13, s29;
	s13 =	sadd.s32 s13, s20;
	s20 =	simm.s32 $0x1  }
.LBB2_11:
0x1b: {  	[bflag:$0x0] =	sbarrier.arrive $0xFFFF  }
0x1c: {  	[tilespmem:s19], [sflag:$0x1] =	stream.linear.gather [spmem:s4], $0x2000, $0x38;
	[tilespmem:$0x18B00] =	vst v63  }
0x1d: {  	_ =	swait.ge [sflag:s20], $0x2000  }
0x1e: {  	[sflag:s20] =	ssyncset.done $0x0  }
0x1f: {  	[sflag:s20] =	ssyncadd.s32 $0xFFFFE000  }
0x20: {  	[hbm4b:s9+s3] =	stream.linear.scatter [tilespmem:s19], [sflag:$0x1], $0x2000, $0x38;
	[tilespmem:$0x18B00] =	vst v63  }
0x21: {  	_ =	swait.ge [sflag:s20], $0x2000  }
0x22: {  	[sflag:s20] =	ssyncset.done $0x0  }
0x23: {  	[sflag:s20] =	ssyncadd.s32 $0xFFFFE000  }
0x24: {  	[tilespmem:s19], [sflag:$0x1] =	stream.linear.gather [spmem:s5], $0x2000, $0x38;
	[tilespmem:$0x18B00] =	vst v63  }
0x25: {  	_ =	swait.ge [sflag:s20], $0x2000  }
0x26: {  	[sflag:s20] =	ssyncset.done $0x0  }
0x27: {  	[sflag:s20] =	ssyncadd.s32 $0xFFFFE000  }
0x28: {  	[hbm4b:s10+s3] =	stream.linear.scatter [tilespmem:s19], [sflag:$0x1], $0x2000, $0x38;
	[tilespmem:$0x18B00] =	vst v63  }
0x29: {  	_ =	swait.ge [sflag:s20], $0x2000  }
0x2a: {  	[sflag:s20] =	ssyncset.done $0x0  }
0x2b: {  	[sflag:s20] =	ssyncadd.s32 $0xFFFFE000  }
0x2c: {  	[tilespmem:s19], [sflag:$0x1] =	stream.linear.gather [spmem:s6], $0x2000, $0x38;
	[tilespmem:$0x18B00] =	vst v63  }
0x2d: {  	_ =	swait.ge [sflag:s20], $0x2000  }
0x2e: {  	[sflag:s20] =	ssyncset.done $0x0  }
0x2f: {  	[sflag:s20] =	ssyncadd.s32 $0xFFFFE000  }
0x30: {  	[hbm4b:s11+s3] =	stream.linear.scatter [tilespmem:s19], [sflag:$0x1], $0x2000, $0x38;
	[tilespmem:$0x18B00] =	vst v63  }
0x31: {  	_ =	swait.ge [sflag:s20], $0x2000  }
0x32: {  	[sflag:s20] =	ssyncset.done $0x0  }
0x33: {  	[sflag:s20] =	ssyncadd.s32 $0xFFFFE000  }
0x34: {  	[tilespmem:s19], [sflag:$0x1] =	stream.linear.gather [spmem:s7], $0x2000, $0x38;
	[tilespmem:$0x18B00] =	vst v63  }
0x35: {  	_ =	swait.ge [sflag:s20], $0x2000  }
0x36: {  	[sflag:s20] =	ssyncset.done $0x0  }
0x37: {  	[sflag:s20] =	ssyncadd.s32 $0xFFFFE000  }
0x38: {  	[hbm4b:s12+s3] =	stream.linear.scatter [tilespmem:s19], [sflag:$0x1], $0x2000, $0x38;
	[tilespmem:$0x18B00] =	vst v63  }
0x39: {  	_ =	swait.ge [sflag:s20], $0x2000  }
0x3a: {  	[sflag:s20] =	ssyncset.done $0x0  }
0x3b: {  	[sflag:s20] =	ssyncadd.s32 $0xFFFFE000  }
0x3c: {  	[tilespmem:s19], [sflag:$0x1] =	stream.linear.gather [spmem:s8], $0x2000, $0x38;
	[tilespmem:$0x18B00] =	vst v63  }
0x3d: {  	_ =	swait.ge [sflag:s20], $0x2000  }
0x3e: {  	[sflag:s20] =	ssyncset.done $0x0  }
0x3f: {  	[sflag:s20] =	ssyncadd.s32 $0xFFFFE000  }
0x40: {  	[hbm4b:s13+s3] =	stream.linear.scatter [tilespmem:s19], [sflag:$0x1], $0x2000, $0x38;
	[tilespmem:$0x18B00] =	vst v63  }
0x41: {  	s28 =	simm.s32 @!p0 $0x80;
	_ =	swait.ge [sflag:s20], $0x2000  }
0x42: {  	s29 =	simm.s32 @!p0 $0x400;
	s26 =	sadd.s32 $0x1, s26;
	[sflag:s20] =	ssyncset.done $0x0  }
0x43: {  	s30 =	simm.s32 @!p0 $0x4A80;
	p1 =	sne.s32 s26, s15;
	[sflag:s20] =	ssyncadd.s32 $0xFFFFE000  }
0x44: {  	[hbm4b:s14+s28] =	stream.strided.scatter @!p0 [tilespmem:s30], [sflag:$0x1], $0x9C80, s29, s28, $0x38;
	[tilespmem:$0x18B00] =	vst v63  }
.Ltmp1:
0x45: {  	_ = 	snop;
	(pc) =	sbr.rel @!p1 .LBB2_12-.Ltmp1, $4  }
0x46: {  	s28 =	simm.s32 @!p0 $0x1  }
0x47: {  	_ =	swait.ge @!p0 [sflag:s28], $0x9C80  }
0x48: {  	[sflag:s28] =	ssyncset.done @!p0 $0x0  }
0x49: {  	[sflag:s28] =	ssyncadd.s32 @!p0 $0xFFFF6380  }
.LBB2_1:
0x4a: {  	s28 =	simm.s32 $0x0;
	s29 =	simm.s32 $0x200  }
.LBB2_2:
0x4b: {  	p1 =	sne.s32 s29, $0x7E00;
	[tilespmem:s28+$0x2AF0] =	vst v3  }
0x4c: {  	[tilespmem:s28+$0x2A80] =	vst v3  }
0x4d: {  	[tilespmem:s28+$0x2A90] =	vst v3  }
.Ltmp2:
0x4e: {  	[tilespmem:s28+$0x2AA0] =	vst v3;
	(pc) =	sbr.rel @p1 .LBB2_2-.Ltmp2, $4  }
0x4f: {  	[tilespmem:s28+$0x2AB0] =	vst v3  }
0x50: {  	[tilespmem:s28+$0x2AC0] =	vst v3  }
0x51: {  	[tilespmem:s28+$0x2AD0] =	vst v3  }
0x52: {  	[tilespmem:s28+$0x2AE0] =	vst v3;
	s28 =	sshra.s32 s29, $0x2;
	s29 =	sadd.s32 $0x200, s29  }
0x53: {  	[tilespmem:s28+$0x2AF0] =	vst v3  }
0x54: {  	[tilespmem:s28+$0x2A80] =	vst v3  }
0x55: {  	[tilespmem:s28+$0x2A90] =	vst v3  }
0x56: {  	[tilespmem:s28+$0x2AA0] =	vst v3  }
0x57: {  	[tilespmem:s28+$0x2AB0] =	vst v3  }
0x58: {  	[tilespmem:s28+$0x2AC0] =	vst v3  }
0x59: {  	[tilespmem:s28+$0x2AD0] =	vst v3  }
0x5a: {  	[tilespmem:s28+$0x2AE0] =	vst v3  }
0x5b: {  	[spmem:s4] =	stream.linear.scatter [tilespmem:s19], [sflag:$0x1], $0x2000, $0x38;
	[tilespmem:$0x18B00] =	vst v63  }
0x5c: {  	_ =	swait.ge [sflag:s20], $0x2000  }
0x5d: {  	[sflag:s20] =	ssyncset.done $0x0  }
0x5e: {  	[sflag:s20] =	ssyncadd.s32 $0xFFFFE000  }
0x5f: {  	[spmem:s5] =	stream.linear.scatter [tilespmem:s19], [sflag:$0x1], $0x2000, $0x38;
	[tilespmem:$0x18B00] =	vst v63  }
0x60: {  	_ =	swait.ge [sflag:s20], $0x2000  }
0x61: {  	[sflag:s20] =	ssyncset.done $0x0  }
0x62: {  	[sflag:s20] =	ssyncadd.s32 $0xFFFFE000  }
0x63: {  	[spmem:s6] =	stream.linear.scatter [tilespmem:s19], [sflag:$0x1], $0x2000, $0x38;
	[tilespmem:$0x18B00] =	vst v63  }
0x64: {  	_ =	swait.ge [sflag:s20], $0x2000  }
0x65: {  	[sflag:s20] =	ssyncset.done $0x0  }
0x66: {  	[sflag:s20] =	ssyncadd.s32 $0xFFFFE000  }
0x67: {  	[spmem:s7] =	stream.linear.scatter [tilespmem:s19], [sflag:$0x1], $0x2000, $0x38;
	[tilespmem:$0x18B00] =	vst v63  }
0x68: {  	_ =	swait.ge [sflag:s20], $0x2000  }
0x69: {  	[sflag:s20] =	ssyncset.done $0x0  }
.Ltmp3:
0x6a: {  	[sflag:s20] =	ssyncadd.s32 $0xFFFFE000;
	(pc) =	sbr.rel @p0 .LBB2_7-.Ltmp3, $4  }
0x6b: {  	[spmem:s8] =	stream.linear.scatter [tilespmem:s19], [sflag:$0x1], $0x2000, $0x38;
	[tilespmem:$0x18B00] =	vst v63  }
0x6c: {  	_ =	swait.ge [sflag:s20], $0x2000  }
0x6d: {  	[sflag:s20] =	ssyncset.done $0x0  }
0x6e: {  	s28 =	simm.s32 $0x0;
	[sflag:s20] =	ssyncadd.s32 $0xFFFFE000  }
0x6f: {  	s29 =	simm.s32 $0x40;
	s30 =	simm.s32 $0x0  }
.LBB2_5:
0x70: {  	p1 =	sne.s32 s29, $0x270C0;
	[tilespmem:s30+$0x4A80] =	vst v3;
	s30 =	smov.u32 s29;
	s29 =	sadd.s32 $0x40, s29  }
.Ltmp4:
0x71: {  	(pc) =	sbr.rel @p1 .LBB2_5-.Ltmp4, $2  }
0x72: {  	_ =	sdelay $0x2  }
0x73: {  	s30 =	sshra.s32 s30, $0x2  }
0x74: {  	[tilespmem:s30+$0x4A80] =	vst v3  }
.LBB2_7:
.Ltmp5:
0x75: {  	(pc) =	sbr.rel .LBB2_8-.Ltmp5, $3  }
0x76: {  	_ =	sdelay $0x1  }
0x77: {  	[bflag:$0x0] =	sbarrier.arrive $0xFFFF  }
0x78: {  	s29 =	smov.u32 s17;
	s30 =	smov.u32 s16  }
.LBB2_10:
0x79: {  	s28 =	sadd.s32 $0xA, s28  }
0x7a: {  	p1 =	sne.s32 s28, $0x9C4  }
.Ltmp6:
0x7b: {  	_ = 	snop;
	(pc) =	sbr.rel @!p1 .LBB2_11-.Ltmp6, $2  }
0x7c: {  	_ =	sdelay $0x2  }
0x7d: {  	s30 =	sadd.s32 $0x500, s30;
	s29 =	sadd.s32 $0x28, s29  }
.LBB2_8:
0x7e: {  	s31 =	sadd.s32 s28, s18  }
0x7f: {  	[tilespmem:s3], [sflag:$0x1] =	stream.linear.gather [hbm4b:s31+s3], $0x50, $0x38;
	[tilespmem:$0x18B00] =	vst v63  }
0x80: {  	_ =	swait.ge [sflag:s20], $0x50  }
0x81: {  	[sflag:s20] =	ssyncset.done $0x0  }
0x82: {  	[sflag:s20] =	ssyncadd.s32 $0xFFFFFFB0  }
0x83: {  	[tilespmem:s21], [sflag:$0x1] =	stream.linear.gather [hbm4b:s30+s3], $0x2800, $0x38;
	[tilespmem:$0x18B00] =	vst v63  }
0x84: {  	_ =	swait.ge [sflag:s20], $0x2800  }
0x85: {  	[sflag:s20] =	ssyncset.done $0x0  }
0x86: {  	[sflag:s20] =	ssyncadd.s32 $0xFFFFD800  }
0x87: {  	v24 =	vld [tilespmem:$0x0]  }
0x88: {  	v25 =	vld [tilespmem:$0x10]  }
0x89: {  	v26 =	vld [tilespmem:$0x20]  }
0x8a: {  	v27 =	vld [tilespmem:$0x30];
	_ =	sdelay $0x1  }
0x8b: {  	vm0 =	vge.s32 v24, v0  }
0x8c: {  	v29 =	vld [tilespmem:$0x40];
	vm1 =	vlt.s32 v24, v1;
	v28 =	vsub.s32 v24, v0;
	v24 =	vand.u32 $0x7F, v24  }
0x8d: {  	vm9 =	vge.s32 v25, v0;
	vm2 =	vlt.s32 v25, v1;
	v59 =	vand.u32 $0x7F, v25  }
0x8e: {  	vm11 =	vge.s32 v26, v0;
	vm12 =	vlt.s32 v26, v1;
	vm13 =	vge.s32 v27, v0  }
0x8f: {  	vm3 =	vlt.s32 v27, v1;
	v25 =	vsub.s32 v25, v0;
	v30 =	vsub.s32 v26, v0  }
0x90: {  	v26 =	vand.u32 $0x7F, v26;
	v31 =	vand.u32 $0x7F, v27;
	v27 =	vsub.s32 v27, v0  }
0x91: {  	vm14 =	vge.s32 v29, v0;
	vm15 =	vlt.s32 v29, v1;
	v62 =	vand.u32 $0x7F, v29  }
0x92: {  	v63 =	vsub.s32 v29, v0;
	vm0 =	vmand vm0, vm1;
	v24 =	vor.u32 $0x1400, v24  }
0x93: {  	vm1 =	vmand vm11, vm12;
	v26 =	vor.u32 $0x1400, v26;
	v24 =	vsel vm0, v28, v24  }
0x94: {  	vm10 =	vmand vm9, vm2;
	v28 =	vor.u32 $0x1400, v59;
	v60 =	vsel vm1, v30, v26;
	[tilespmem:$0x2A00] =	vst v24  }
0x95: {  	vm2 =	vmand vm13, vm3;
	v31 =	vor.u32 $0x1400, v31;
	v25 =	vsel vm10, v25, v28;
	[tilespmem:$0x2A20] =	vst v60  }
0x96: {  	v61 =	vsel vm2, v27, v31;
	vm0 =	vmand vm14, vm15;
	[tilespmem:$0x2A10] =	vst v25;
	v25 =	vor.u32 $0x1400, v62  }
0x97: {  	[tilespmem:$0x2A30] =	vst v61;
	v24 =	vsel vm0, v63, v25  }
.Ltmp7:
0x98: {  	[tilespmem:$0x2A40] =	vst v24;
	(pc) =	sbr.rel @p0 .LBB2_10-.Ltmp7, $4  }
0x99: {  	[spmem:s2] =	stream.indirect.scatter.add.f32 [tilespmem:s21], [sflag:$0x1], $0x80, s23, s22, $0xb8;
	[tilespmem:$0x18B00] =	vst v63  }
0x9a: {  	_ =	swait.ge [sflag:s20], $0x2800  }
0x9b: {  	[sflag:s20] =	ssyncset.done $0x0  }
0x9c: {  	[sflag:s20] =	ssyncadd.s32 $0xFFFFD800  }
0x9d: {  	[tilespmem:s24], [sflag:$0x1] =	stream.linear.gather [hbm4b:s29+s3], $0x140, $0x38;
	[tilespmem:$0x18B00] =	vst v63  }
0x9e: {  	_ =	swait.ge [sflag:s20], $0x140  }
0x9f: {  	[sflag:s20] =	ssyncset.done $0x0  }
0xa0: {  	[sflag:s20] =	ssyncadd.s32 $0xFFFFFEC0  }
0xa1: {  	v24 =	vld.idx.msk [tilespmem:v2+s3+$0x0], $0xffff;
	_ =	sdelay $0x4  }
0xa2: {  	v24 =	vshll.u32 v24, $0x2  }
0xa3: {  	v25 =	vld [tilespmem:$0x2880];
	v24 =	vor.u32 v4, v24;
	_ =	sdelay $0x4  }
0xa4: {  	[tilespmem:v24+s25+$0x0] =	vst.idx.add.f32.msk $0xffff, v25  }
0xa5: {  	v24 =	vld.idx.msk [tilespmem:v5+s3+$0x0], $0xffff;
	_ =	sdelay $0x4  }
0xa6: {  	v24 =	vshll.u32 v24, $0x2  }
0xa7: {  	v25 =	vld [tilespmem:$0x2890];
	v24 =	vor.u32 v4, v24;
	_ =	sdelay $0x4  }
0xa8: {  	[tilespmem:v24+s25+$0x0] =	vst.idx.add.f32.msk $0xffff, v25  }
0xa9: {  	v24 =	vld.idx.msk [tilespmem:v6+s3+$0x0], $0xffff;
	_ =	sdelay $0x4  }
0xaa: {  	v24 =	vshll.u32 v24, $0x2  }
0xab: {  	v25 =	vld [tilespmem:$0x28A0];
	v24 =	vor.u32 v4, v24;
	_ =	sdelay $0x4  }
0xac: {  	[tilespmem:v24+s25+$0x0] =	vst.idx.add.f32.msk $0xffff, v25  }
0xad: {  	v24 =	vld.idx.msk [tilespmem:v7+s3+$0x0], $0xffff;
	_ =	sdelay $0x4  }
0xae: {  	v24 =	vshll.u32 v24, $0x2  }
0xaf: {  	v25 =	vld [tilespmem:$0x28B0];
	v24 =	vor.u32 v4, v24;
	_ =	sdelay $0x4  }
0xb0: {  	[tilespmem:v24+s25+$0x0] =	vst.idx.add.f32.msk $0xffff, v25  }
0xb1: {  	v24 =	vld.idx.msk [tilespmem:v8+s3+$0x0], $0xffff;
	_ =	sdelay $0x4  }
0xb2: {  	v24 =	vshll.u32 v24, $0x2  }
0xb3: {  	v25 =	vld [tilespmem:$0x28C0];
	v24 =	vor.u32 v4, v24;
	_ =	sdelay $0x4  }
0xb4: {  	[tilespmem:v24+s25+$0x0] =	vst.idx.add.f32.msk $0xffff, v25  }
0xb5: {  	v24 =	vld.idx.msk [tilespmem:v9+s3+$0x0], $0xffff;
	_ =	sdelay $0x4  }
0xb6: {  	v24 =	vshll.u32 v24, $0x2  }
0xb7: {  	v25 =	vld [tilespmem:$0x28D0];
	v24 =	vor.u32 v4, v24;
	_ =	sdelay $0x4  }
0xb8: {  	[tilespmem:v24+s25+$0x0] =	vst.idx.add.f32.msk $0xffff, v25  }
0xb9: {  	v24 =	vld.idx.msk [tilespmem:v10+s3+$0x0], $0xffff;
	_ =	sdelay $0x4  }
0xba: {  	v24 =	vshll.u32 v24, $0x2  }
0xbb: {  	v25 =	vld [tilespmem:$0x28E0];
	v24 =	vor.u32 v4, v24;
	_ =	sdelay $0x4  }
0xbc: {  	[tilespmem:v24+s25+$0x0] =	vst.idx.add.f32.msk $0xffff, v25  }
0xbd: {  	v24 =	vld.idx.msk [tilespmem:v11+s3+$0x0], $0xffff;
	_ =	sdelay $0x4  }
0xbe: {  	v24 =	vshll.u32 v24, $0x2  }
0xbf: {  	v25 =	vld [tilespmem:$0x28F0];
	v24 =	vor.u32 v4, v24;
	_ =	sdelay $0x4  }
0xc0: {  	[tilespmem:v24+s25+$0x0] =	vst.idx.add.f32.msk $0xffff, v25  }
0xc1: {  	v24 =	vld.idx.msk [tilespmem:v12+s3+$0x0], $0xffff;
	_ =	sdelay $0x4  }
0xc2: {  	v24 =	vshll.u32 v24, $0x2  }
0xc3: {  	v25 =	vld [tilespmem:$0x2900];
	v24 =	vor.u32 v4, v24;
	_ =	sdelay $0x4  }
0xc4: {  	[tilespmem:v24+s25+$0x0] =	vst.idx.add.f32.msk $0xffff, v25  }
0xc5: {  	v24 =	vld.idx.msk [tilespmem:v13+s3+$0x0], $0xffff;
	_ =	sdelay $0x4  }
0xc6: {  	v24 =	vshll.u32 v24, $0x2  }
0xc7: {  	v25 =	vld [tilespmem:$0x2910];
	v24 =	vor.u32 v4, v24;
	_ =	sdelay $0x4  }
0xc8: {  	[tilespmem:v24+s25+$0x0] =	vst.idx.add.f32.msk $0xffff, v25  }
0xc9: {  	v24 =	vld.idx.msk [tilespmem:v14+s3+$0x0], $0xffff;
	_ =	sdelay $0x4  }
0xca: {  	v24 =	vshll.u32 v24, $0x2  }
0xcb: {  	v25 =	vld [tilespmem:$0x2920];
	v24 =	vor.u32 v4, v24;
	_ =	sdelay $0x4  }
0xcc: {  	[tilespmem:v24+s25+$0x0] =	vst.idx.add.f32.msk $0xffff, v25  }
0xcd: {  	v24 =	vld.idx.msk [tilespmem:v15+s3+$0x0], $0xffff;
	_ =	sdelay $0x4  }
0xce: {  	v24 =	vshll.u32 v24, $0x2  }
0xcf: {  	v25 =	vld [tilespmem:$0x2930];
	v24 =	vor.u32 v4, v24;
	_ =	sdelay $0x4  }
0xd0: {  	[tilespmem:v24+s25+$0x0] =	vst.idx.add.f32.msk $0xffff, v25  }
0xd1: {  	v24 =	vld.idx.msk [tilespmem:v16+s3+$0x0], $0xffff;
	_ =	sdelay $0x4  }
0xd2: {  	v24 =	vshll.u32 v24, $0x2  }
0xd3: {  	v25 =	vld [tilespmem:$0x2940];
	v24 =	vor.u32 v4, v24;
	_ =	sdelay $0x4  }
0xd4: {  	[tilespmem:v24+s25+$0x0] =	vst.idx.add.f32.msk $0xffff, v25  }
0xd5: {  	v24 =	vld.idx.msk [tilespmem:v17+s3+$0x0], $0xffff;
	_ =	sdelay $0x4  }
0xd6: {  	v24 =	vshll.u32 v24, $0x2  }
0xd7: {  	v25 =	vld [tilespmem:$0x2950];
	v24 =	vor.u32 v4, v24;
	_ =	sdelay $0x4  }
0xd8: {  	[tilespmem:v24+s25+$0x0] =	vst.idx.add.f32.msk $0xffff, v25  }
0xd9: {  	v24 =	vld.idx.msk [tilespmem:v18+s3+$0x0], $0xffff;
	_ =	sdelay $0x4  }
0xda: {  	v24 =	vshll.u32 v24, $0x2  }
0xdb: {  	v25 =	vld [tilespmem:$0x2960];
	v24 =	vor.u32 v4, v24;
	_ =	sdelay $0x4  }
0xdc: {  	[tilespmem:v24+s25+$0x0] =	vst.idx.add.f32.msk $0xffff, v25  }
0xdd: {  	v24 =	vld.idx.msk [tilespmem:v19+s3+$0x0], $0xffff;
	_ =	sdelay $0x4  }
0xde: {  	v24 =	vshll.u32 v24, $0x2  }
0xdf: {  	v25 =	vld [tilespmem:$0x2970];
	v24 =	vor.u32 v4, v24;
	_ =	sdelay $0x4  }
0xe0: {  	[tilespmem:v24+s25+$0x0] =	vst.idx.add.f32.msk $0xffff, v25  }
0xe1: {  	v24 =	vld.idx.msk [tilespmem:v20+s3+$0x0], $0xffff;
	_ =	sdelay $0x4  }
0xe2: {  	v24 =	vshll.u32 v24, $0x2  }
0xe3: {  	v25 =	vld [tilespmem:$0x2980];
	v24 =	vor.u32 v4, v24;
	_ =	sdelay $0x4  }
0xe4: {  	[tilespmem:v24+s25+$0x0] =	vst.idx.add.f32.msk $0xffff, v25  }
0xe5: {  	v24 =	vld.idx.msk [tilespmem:v21+s3+$0x0], $0xffff;
	_ =	sdelay $0x4  }
0xe6: {  	v24 =	vshll.u32 v24, $0x2  }
0xe7: {  	v25 =	vld [tilespmem:$0x2990];
	v24 =	vor.u32 v4, v24;
	_ =	sdelay $0x4  }
0xe8: {  	[tilespmem:v24+s25+$0x0] =	vst.idx.add.f32.msk $0xffff, v25  }
0xe9: {  	v24 =	vld.idx.msk [tilespmem:v22+s3+$0x0], $0xffff;
	_ =	sdelay $0x4  }
0xea: {  	v24 =	vshll.u32 v24, $0x2  }
0xeb: {  	v25 =	vld [tilespmem:$0x29A0];
	v24 =	vor.u32 v4, v24;
	_ =	sdelay $0x4  }
0xec: {  	[tilespmem:v24+s25+$0x0] =	vst.idx.add.f32.msk $0xffff, v25  }
0xed: {  	v24 =	vld.idx.msk [tilespmem:v23+s3+$0x0], $0xffff;
	_ =	sdelay $0x4  }
0xee: {  	v24 =	vshll.u32 v24, $0x2  }
0xef: {  	v25 =	vld [tilespmem:$0x29B0];
	v24 =	vor.u32 v4, v24  }
.Ltmp8:
0xf0: {  	_ = 	snop;
	(pc) =	sbr.rel .LBB2_10-.Ltmp8, $2  }
0xf1: {  	_ =	sdelay $0x2  }
0xf2: {  	[tilespmem:v24+s25+$0x0] =	vst.idx.add.f32.msk $0xffff, v25  }
.LBB2_12:
0xf3: {  	_ =	sfence.sel $0x180000  }
0xf4: {  	[bflag:$0x0] =	sbarrier.arrive $0xFFFF  }
0xf5: {  	p0 =	sne.s32 s1, $0x0;
	_ =	strace $0x9000004A  }
0xf6: {  	s0 =	sadd.s32 @!p0 $0x100000, s0;
	[bflag:$0x2] =	sbarrier.arrive $0xFFFF  }
0xf7: {  	[sflag:s0] =	ssyncadd.tile.s32 @!p0 $0x1;
	_ =	shalt  }
.Lfunc_end2:
_tile_overlayer_lowered:
.L_overlay_start_2:
0xf8: {  	(tag) =	ssettag $0x2  }
0xf9: {  	s0 =	rddreg [dreg:$0x0];
	s2 =	stileid.u32  }
0xfa: {  	s1 =	rddreg [dreg:$0x1];
	p0 =	sne.s32 s2, $0x0  }
0xfb: {  	s3 =	rddreg [dreg:$0x2];
	[bflag:$0x3] =	sbarrier.arrive $0xFFFF;
	s2 =	simm.s32 @!p0 $0x1C01  }
0xfc: {  	[timem:s3], [sflag:s2] =	dma.local @!p0 [hbm:s0], s1  }
0xfd: {  	s0 =	simm.s32 @!p0 $0x1  }
0xfe: {  	_ =	swait.ge @!p0 [sflag:s0], s1  }
0xff: {  	s1 =	ssub.s32 @!p0 $0x0, s1;
	[sflag:s0] =	ssyncset.done @!p0 $0x0  }
0x100: {  	[sflag:s0] =	ssyncadd.s32 @!p0 s1  }
0x101: {  	[bflag:$0x3] =	sbarrier.arrive $0xFFFF  }
0x102: {  	_ =	shalt  }

// kernel: kernel.8.cloned.1.call-start
scs
__scs_entry_jumppad:
0x0: {  	(pc) =	sbr.rel $0x88, $3  }
0x1: {  	(tag) =	ssettag $0x0;
	lr =	simm.s32 $0x1  }
0x2: {  	[smem:$0x3F90] =	sst lr;
	_ =	strace $0xD0000000  }
0x3: {  	_ = 	snop  }
0x4: {  	_ = 	snop  }
0x5: {  	_ = 	snop  }
0x6: {  	_ = 	snop  }
0x7: {  	_ = 	snop  }
__scs_overlays_trampoline_lowered:
0x8: {  	[smem:$0x3F9F] =	sst s0  }
0x9: {  	[smem:$0x3FA0] =	sst s1  }
0xa: {  	[smem:$0x3FA1] =	sst s2  }
0xb: {  	[smem:$0x3FA2] =	sst s3  }
0xc: {  	[smem:$0x3FA3] =	sst s4  }
0xd: {  	[smem:$0x3FA4] =	sst s5  }
0xe: {  	[smem:$0x3FA5] =	sst s6  }
0xf: {  	[smem:$0x3FA6] =	sst s7  }
0x10: {  	[smem:$0x3FA7] =	sst s8  }
0x11: {  	[smem:$0x3FA8] =	sst s9;
	s0 =	simm.s32 @!p0 $0x0  }
0x12: {  	s1 =	sld [smem:$0x3F8E];
	s0 =	simm.s32 @p0 $0x1  }
0x13: {  	[smem:$0x3FA9] =	sst s0;
	s0 =	simm.s32 @!p1 $0x0  }
0x14: {  	s2 =	sld [smem:$0x3F8D];
	s0 =	simm.s32 @p1 $0x1  }
0x15: {  	[smem:$0x3FAA] =	sst s0;
	s0 =	simm.s32 @!p2 $0x0  }
0x16: {  	s3 =	sld [smem:$0x3FDB];
	s0 =	simm.s32 @p2 $0x1  }
0x17: {  	s4 =	simm.s32 $0x1BF5;
	[smem:$0x3FAC] =	sst s0  }
0x18: {  	s0 =	sld [smem:$0x3F8F];
	_ =	swait.ge [sflag:s4], $0x0  }
0x19: {  	s7 =	sld [smem:$0x3F90]  }
0x1a: {  	s8 =	sadd.s32 $0xFFFFE003, lr  }
0x1b: {  	s9 =	sadd.s32 $0xFFFFFEF7, lr;
	s5 =	simm.s32 $0xFFFFFFFF;
	p2 =	slt.u32 s8, $0xFFFFF086  }
0x1c: {  	p1 =	slt.u32 s9, $0xF7A;
	s5 =	simm.s32 @!p2 $0x0  }
0x1d: {  	s5 =	simm.s32 @p1 $0x1;
	p0 =	seq.s32 s7, s2  }
0x1e: {  	s7 =	smul.u32 @!p0 $0xF7A, s2;
	p2 =	seq.s32 @!p0 s5, $0x0  }
0x1f: {  	s9 =	smul.u32 $0xF7A, s1;
	s8 =	simm.s32 @!p0 $0x1BF5;
	p2 =	por !p2, p0  }
0x20: {  	[sflag:s8] =	ssyncset.s32 @!p0 $0xFFFFF086;
	s6 =	sadd.s32 @!p0 s3, s7;
	s7 =	simm.s32 @!p0 $0x108  }
0x21: {  	s3 =	sadd.s32 s3, s9;
	s6 =	sadd.s32 @!p0 $0x88, s6;
	s7 =	simm.s32 @p2 $0x1082  }
0x22: {  	[simem:s7], [sflag:s8] =	dma.local @!p0 [hbm:s6], $0xF7A  }
0x23: {  	s9 =	sor.u32 $0xD0000000, s2;
	s6 =	simm.s32 $0x108;
	_ =	swait.ge @!p0 [sflag:s8], $0x0  }
0x24: {  	s3 =	sadd.s32 $0x88, s3;
	s6 =	simm.s32 @!p1 $0x1082;
	[sflag:s4] =	ssyncset.s32 $0xFFFFF086  }
0x25: {  	[simem:s6], [sflag:s4] =	dma.local [hbm:s3], $0xF7A  }
0x26: {  	[smem:$0x3F90] =	sst s1;
	(tag) =	ssettag s2;
	_ =	strace s9  }
0x27: {  	s1 =	sld [smem:$0x3FA0]  }
0x28: {  	s2 =	sld [smem:$0x3FA1]  }
0x29: {  	s4 =	sld [smem:$0x3FA3]  }
0x2a: {  	p0 =	seq.s32 s5, $0x0;
	s5 =	sld [smem:$0x3FA4]  }
0x2b: {  	s6 =	sld [smem:$0x3FA5]  }
0x2c: {  	s7 =	sld [smem:$0x3FA6]  }
0x2d: {  	s3 =	simm.s32 $0x108;
	s8 =	sld [smem:$0x3FA7]  }
0x2e: {  	s3 =	simm.s32 @!p0 $0x1082;
	s9 =	sld [smem:$0x3FA8]  }
0x2f: {  	lr =	sadd.s32 s0, s3;
	s0 =	sld [smem:$0x3F9F]  }
0x30: {  	s3 =	sld [smem:$0x3FA2]  }
0x31: {  	[smem:$0x3FAB] =	sst s10  }
0x32: {  	s10 =	sld [smem:$0x3FA9];
	_ =	sdelay $0x3  }
0x33: {  	p0 =	seq.s32 s10, $0x1;
	s10 =	sld [smem:$0x3FAB];
	_ =	sdelay $0x3  }
0x34: {  	[smem:$0x3FAB] =	sst s10  }
0x35: {  	s10 =	sld [smem:$0x3FAA];
	_ =	sdelay $0x3  }
0x36: {  	p1 =	seq.s32 s10, $0x1;
	s10 =	sld [smem:$0x3FAB];
	_ =	sdelay $0x3  }
0x37: {  	[smem:$0x3FAB] =	sst s10  }
0x38: {  	s10 =	sld [smem:$0x3FAC]  }
0x39: {  	_ = 	snop;
	(pc) =	sbr.ind lr, $3  }
0x3a: {  	_ = 	snop  }
0x3b: {  	_ = 	snop  }
0x3c: {  	p2 =	seq.s32 s10, $0x1;
	s10 =	sld [smem:$0x3FAB]  }
0x3d: {  	_ =	shalt  }
0x3e: {  	_ =	shalt  }
0x3f: {  	_ =	shalt  }
0x40: {  	_ =	shalt  }
0x41: {  	_ =	shalt  }
0x42: {  	_ =	shalt  }
0x43: {  	_ =	shalt  }
0x44: {  	_ =	shalt  }
0x45: {  	_ =	shalt  }
0x46: {  	_ =	shalt  }
0x47: {  	_ =	shalt  }
0x48: {  	_ =	shalt  }
0x49: {  	_ =	shalt  }
0x4a: {  	_ =	shalt  }
0x4b: {  	_ =	shalt  }
0x4c: {  	_ =	shalt  }
0x4d: {  	_ =	shalt  }
0x4e: {  	_ =	shalt  }
0x4f: {  	_ =	shalt  }
0x50: {  	_ =	shalt  }
0x51: {  	_ =	shalt  }
0x52: {  	_ =	shalt  }
0x53: {  	_ =	shalt  }
0x54: {  	_ =	shalt  }
0x55: {  	_ =	shalt  }
0x56: {  	_ =	shalt  }
0x57: {  	_ =	shalt  }
0x58: {  	_ =	shalt  }
0x59: {  	_ =	shalt  }
0x5a: {  	_ =	shalt  }
0x5b: {  	_ =	shalt  }
0x5c: {  	_ =	shalt  }
0x5d: {  	_ =	shalt  }
0x5e: {  	_ =	shalt  }
0x5f: {  	_ =	shalt  }
0x60: {  	_ =	shalt  }
0x61: {  	_ =	shalt  }
0x62: {  	_ =	shalt  }
0x63: {  	_ =	shalt  }
0x64: {  	_ =	shalt  }
0x65: {  	_ =	shalt  }
0x66: {  	_ =	shalt  }
0x67: {  	_ =	shalt  }
0x68: {  	_ =	shalt  }
0x69: {  	_ =	shalt  }
0x6a: {  	_ =	shalt  }
0x6b: {  	_ =	shalt  }
0x6c: {  	_ =	shalt  }
0x6d: {  	_ =	shalt  }
0x6e: {  	_ =	shalt  }
0x6f: {  	_ =	shalt  }
0x70: {  	_ =	shalt  }
0x71: {  	_ =	shalt  }
0x72: {  	_ =	shalt  }
0x73: {  	_ =	shalt  }
0x74: {  	_ =	shalt  }
0x75: {  	_ =	shalt  }
0x76: {  	_ =	shalt  }
0x77: {  	_ =	shalt  }
0x78: {  	_ =	shalt  }
0x79: {  	_ =	shalt  }
0x7a: {  	_ =	shalt  }
0x7b: {  	_ =	shalt  }
0x7c: {  	_ =	shalt  }
0x7d: {  	_ =	shalt  }
0x7e: {  	_ =	shalt  }
0x7f: {  	_ =	shalt  }
0x80: {  	_ =	shalt  }
0x81: {  	_ =	shalt  }
0x82: {  	_ =	shalt  }
0x83: {  	_ =	shalt  }
0x84: {  	_ =	shalt  }
0x85: {  	_ =	shalt  }
0x86: {  	_ =	shalt  }
0x87: {  	_ =	shalt  }
.Lfunc_end0:
.L_simem_size_0:
called_computation_lowered:
.L_overlay_start_0:
0x88: {  	s2 =	sld [smem:$0x3FD9]  }
0x89: {  	s3 =	sld [smem:$0x3FFE];
	_ =	sdelay $0x1  }
0x8a: {  	s1 =	srdreg.scid  }
0x8b: {  	s0 =	sand.u32 $0x1, s1  }
0x8c: {  	s14 =	sshll.u32 s0, $0xA;
	s2 =	sadd.s32 s3, s2  }
0x8d: {  	s2 =	sadd.s32 s2, s14  }
0x8e: {  	[smem:$0x3FB7] =	sst s2  }
0x8f: {  	_ = 	snop  }
0x90: {  	s2 =	sld [smem:$0x3FD0];
	_ =	sdelay $0x2  }
0x91: {  	s15 =	simm.s32 $0xA;
	s4 =	simm.s32 $0x10  }
0x92: {  	[smem:s4], [sflag:s15] =	dma.local [hbm:s2], $0x1  }
0x93: {  	_ =	swait.eq [sflag:s15], $0x1  }
0x94: {  	[sflag:s15] =	ssyncset.done $0x0  }
0x95: {  	[sflag:s15] =	ssyncadd.s32 $0xFFFFFFFF  }
0x96: {  	s16 =	sld [smem:$0x10];
	(tm) =	ssettm $0x1  }
0x97: {  	s17 =	sld [smem:$0x3FFB];
	_ =	sdelay $0x3  }
0x98: {  	_ =	strace s17  }
0x99: {  	s3 =	sld [smem:$0x3FFC];
	_ =	sdelay $0x3  }
0x9a: {  	_ =	strace s3  }
0x9b: {  	s3 =	sld [smem:$0x3FFD];
	_ =	sdelay $0x3  }
0x9c: {  	_ =	strace s3  }
0x9d: {  	_ =	strace $0x8FFFFFFF  }
0x9e: {  	s18 =	sld [smem:$0x3FDB];
	_ =	sdelay $0x1  }
0x9f: {  	s19 =	simm.s32 $_scs_section_size  }
0xa0: {  	s5 =	simm.s32 $_size__tile_overlayer_lowered;
	s6 =	simm.s32 $_tile_overlayer_lowered  }
0xa1: {  	s22 =	simm.s32 $0x1BFF;
	s21 =	sshll.u32 s6, $0x1;
	s3 =	sadd.s32 s19, s18  }
0xa2: {  	s7 =	simm.s32 $0x0;
	s20 =	sshll.u32 s5, $0x1;
	s5 =	sadd.s32 s21, s3  }
0xa3: {  	[timem:s7], [sflag:s22] =	dma.local [hbm:s5], s20  }
0xa4: {  	_ =	swait.ge [sflag:s22], s20  }
0xa5: {  	s4 =	ssub.s32 $0x0, s20;
	[sflag:s22] =	ssyncset.done $0x0  }
0xa6: {  	[sflag:s22] =	ssyncadd.s32 s4;
	_ =	sdelay $0x1  }
0xa7: {  	s23 =	simm.s32 $0x1B8B  }
0xa8: {  	_ =	swait.ge [sflag:s23], $0x1  }
0xa9: {  	[sflag:s23] =	ssyncset.done $0x0  }
0xaa: {  	s25 =	simm.s32 $0x1B8E;
	s24 =	sld [smem:$0x3FFE];
	[sflag:s23] =	ssyncadd.s32 $0xFFFFFFFF  }
0xab: {  	s26 =	simm.s32 $execute0_lowered;
	[smem:$0x3FD2] =	sst s25  }
0xac: {  	s5 =	sshll.u32 s26, $0x1;
	_ =	strace $0x80000046;
	[dreg:$0x1] =	wrdreg $0xFFFFFFFF  }
0xad: {  	s28 =	simm.s32 $_size_execute0_lowered;
	s3 =	sadd.s32 s3, s5;
	[dreg:$0x0] =	wrdreg $0x0  }
0xae: {  	s5 =	sshll.u32 s28, $0x1;
	[dreg:$0x2] =	wrdreg s3  }
0xaf: {  	[dreg:$0x3] =	wrdreg s5  }
0xb0: {  	[dreg:$0x4] =	wrdreg $0xC0  }
0xb1: {  	_ =	task [dreg:s7], $0x5FFFF  }
0xb2: {  	[dreg:$0x1] =	wrdreg $0xFFFFFFFF  }
0xb3: {  	[dreg:$0x0] =	wrdreg $0x60  }
0xb4: {  	[dreg:$0x2] =	wrdreg s16  }
0xb5: {  	[dreg:$0x3] =	wrdreg s24  }
0xb6: {  	[dreg:$0x4] =	wrdreg $0x9  }
0xb7: {  	_ =	task.clear_ibuf [dreg:s7], $0x5FFFF;
	_ =	strace $0x90000046  }
0xb8: {  	s29 =	simm.s32 $0x9;
	_ =	strace $0x80000048  }
0xb9: {  	_ =	swait.ge [sflag:s29], $0x1  }
0xba: {  	[sflag:s29] =	ssyncadd.s32 $0xFFFFFFFF  }
0xbb: {  	_ =	strace $0x90000048  }
0xbc: {  	_ =	sfence  }
0xbd: {  	s30 =	sld [smem:$0x0];
	_ =	sdelay $0x2  }
0xbe: {  	s31 =	sshll.u32 s1, $0xD;
	s1 =	sshrl.u32 s1, $0x2  }
0xbf: {  	s3 =	sand.u32 $0x4000, s31;
	s1 =	sadd.s32 s1, s30  }
0xc0: {  	s0 =	sor.u32 s3, s0;
	s1 =	sshll.u32 s1, $0x11  }
0xc1: {  	s0 =	sor.u32 s1, s0  }
0xc2: {  	s0 =	sadd.s32 $0x8F2B, s0  }
0xc3: {  	[sflag:s0] =	ssyncadd.remote.s32 $0x1  }
0xc4: {  	_ =	sfence.sel $0xFFFF  }
0xc5: {  	[dreg:$0x0] =	wrdreg $0xFFFFFFFF;
	(pc) =	sbr.abs _section_cstart, $3  }
0xc6: {  	[dreg:$0x1] =	wrdreg $0xFFFFFFFF  }
0xc7: {  	_ =	task.clear_ibuf [dreg:s7], $0x2FFFF;
	_ =	strace $0x9FFFFFFF  }
0xc8: {  	(tm) =	ssettm $0x7FFFFFFF  }
0xc9: {  	_ =	shalt  }
tec
execute0_lowered:
.L_overlay_start_1:
0x0: {  	(tag) =	ssettag $0x1  }
0x1: {  	s1 =	srdreg.scid;
	s2 =	rddreg [dreg:$0x0]  }
0x2: {  	s0 =	stileid.u32;
	s7 =	rddreg [dreg:$0x1]  }
0x3: {  	s3 =	simm.s32 $0x0;
	s14 =	simm.s32 $0x9F00;
	s15 =	simm.s32 $0x50  }
0x4: {  	s16 =	simm.s32 $0x4F00;
	s17 =	simm.s32 $0x7700;
	s18 =	simm.s32 $0x13B80  }
0x5: {  	s19 =	simm.s32 $0x1;
	s20 =	simm.s32 $0x0;
	s8 =	smul.u32 $0x4E200, s0  }
0x6: {  	v0 =	vlaneseq.u32;
	s6 =	sand.u32 $0x1, s1;
	s26 =	sshll.u32 s0, $0x1;
	s9 =	smul.u32 $0x4E20, s0  }
0x7: {  	[smem:$0x7FF] =	sst s3;
	s5 =	sadd.s32 $0x19600, s7;
	v0 =	vmul.u32 $0x4, v0;
	s11 =	smul.u32 $0x2710, s6  }
0x8: {  	s1 =	sor.u32 s6, s26;
	s29 =	ssub.s32 $0x2, s6;
	s13 =	smul.u32 $0x27100, s6  }
0x9: {  	s4 =	smul.u32 $0x2710, s1;
	s1 =	rddreg [dreg:$0x2];
	_ =	strace $0x80000047;
	v1 =	vor.u32 $0x1, v0  }
0xa: {  	s12 =	sadd.s32 s8, s7;
	s30 =	sshrl.u32 s29, $0x1;
	v2 =	vor.u32 $0x2, v0;
	v3 =	vor.u32 $0x3, v0;
	v4 =	vor.u32 $0x40, v0;
	s28 =	sadd.s32 s11, s9  }
0xb: {  	v5 =	vor.u32 $0x41, v0;
	v6 =	vor.u32 $0x42, v0;
	v7 =	vor.u32 $0x43, v0;
	s9 =	ssub.s32 s29, s30;
	s31 =	sadd.s32 s13, s12;
	s12 =	simm.s32 $0x2  }
0xc: {  	v8 =	vor.u32 $0x80, v0;
	v9 =	vor.u32 $0x81, v0;
	v10 =	vor.u32 $0x82, v0;
	s13 =	simm.s32 $0x2780;
	s10 =	sshrl.u32 s4, $0x3;
	s4 =	sadd.s32 $0x1AA00, s7  }
0xd: {  	v11 =	vor.u32 $0x83, v0;
	v12 =	vor.u32 $0xC0, v0;
	v13 =	vor.u32 $0xC1, v0;
	s8 =	sshrl.u32 s28, $0x1;
	s9 =	smax.u32 s9, $0x1;
	s10 =	sadd.s32 s10, s7  }
0xe: {  	v14 =	vor.u32 $0xC2, v0;
	v15 =	vor.u32 $0xC3, v0;
	v16 =	vor.u32 $0x100, v0;
	s11 =	sadd.s32 $0x54AE00, s31;
	s8 =	sadd.s32 s8, s7;
	s6 =	sadd.s32 $0xF800, s10  }
0xf: {  	v17 =	vor.u32 $0x101, v0;
	v18 =	vor.u32 $0x102, v0;
	v19 =	vor.u32 $0x103, v0;
	s7 =	sadd.s32 $0x5A00, s10;
	s8 =	sadd.s32 $0x41C00, s8;
	s10 =	sadd.s32 $0x68E00, s31  }
.LBB2_1:
0x10: {  	[tilespmem:s3], [sflag:$0x2] =	stream.linear.gather [hbm4b:s6+s3], $0x2710, $0x38;
	[tilespmem:$0x13D00] =	vst v63  }
0x11: {  	_ =	swait.ge [sflag:s12], $0x2710  }
0x12: {  	[sflag:s12] =	ssyncset.done $0x0  }
0x13: {  	[sflag:s12] =	ssyncadd.s32 $0xFFFFD8F0  }
0x14: {  	[tilespmem:s13], [sflag:$0x2] =	stream.linear.gather [hbm4b:s7+s3], $0x2710, $0x38;
	[tilespmem:$0x13D00] =	vst v63  }
0x15: {  	_ =	swait.ge [sflag:s12], $0x2710  }
0x16: {  	[sflag:s12] =	ssyncset.done $0x0  }
0x17: {  	[sflag:s12] =	ssyncadd.s32 $0xFFFFD8F0  }
0x18: {  	[tilespmem:s14], [sflag:$0x2] =	stream.linear.gather [hbm4b:s5+s3], $0x9C80, $0x38;
	[tilespmem:$0x13D00] =	vst v63  }
0x19: {  	_ =	swait.ge [sflag:s12], $0x9C80  }
0x1a: {  	s21 =	smov.u32 s11;
	s22 =	smov.u32 s10;
	[sflag:s12] =	ssyncset.done $0x0  }
0x1b: {  	s23 =	smov.u32 s8;
	s24 =	simm.s32 $0x0;
	[sflag:s12] =	ssyncadd.s32 $0xFFFF6380  }
.LBB2_2:
0x1c: {  	s25 =	sshra.s32 s24, $0x2  }
0x1d: {  	[tilespmem:s16], [sflag:$0x1] =	stream.indirect.gather [hbm4b:s2+s15], $0x80, s25, s15, $0xb8;
	[tilespmem:$0x13D00] =	vst v63  }
0x1e: {  	s26 =	sadd.s32 $0x2780, s25  }
0x1f: {  	[tilespmem:s17], [sflag:$0x1] =	stream.indirect.gather [hbm4b:s4+s15], $0x80, s26, s15, $0xb8;
	[tilespmem:$0x13D00] =	vst v63  }
0x20: {  	v20 =	vld [tilespmem:s25+$0x0]  }
0x21: {  	v21 =	vld [tilespmem:s25+$0x2780];
	_ =	sdelay $0x3  }
0x22: {  	v20 =	vshll.u32 v20, $0x2  }
0x23: {  	v21 =	vshll.u32 v21, $0x2  }
0x24: {  	v22 =	vor.u32 $0x1, v20  }
0x25: {  	v23 =	vor.u32 $0x1, v21  }
0x26: {  	v24 =	vor.u32 $0x2, v20  }
0x27: {  	v25 =	vor.u32 $0x2, v21;
	v20 =	vld.idx.msk [tilespmem:v20+s14+$0x0], $0xffff  }
0x28: {  	v21 =	vld.idx.msk [tilespmem:v21+s14+$0x0], $0xffff  }
0x29: {  	v22 =	vld.idx.msk [tilespmem:v22+s14+$0x0], $0xffff  }
0x2a: {  	v23 =	vld.idx.msk [tilespmem:v23+s14+$0x0], $0xffff  }
0x2b: {  	v24 =	vld.idx.msk [tilespmem:v24+s14+$0x0], $0xffff  }
0x2c: {  	v25 =	vld.idx.msk [tilespmem:v25+s14+$0x0], $0xffff;
	_ =	sdelay $0x2  }
0x2d: {  	v20 =	vsub.f32 v20, v21;
	v33 =	vsub.f32 v22, v23;
	_ =	sdelay $0x1  }
0x2e: {  	v24 =	vsub.f32 v24, v25;
	v34 =	vmul.f32 v20, v20;
	v23 =	vmul.f32 v33, v33;
	_ =	sdelay $0x1  }
0x2f: {  	v35 =	vmul.f32 v24, v24;
	v22 =	vadd.f32 v23, v34;
	_ =	sdelay $0x1  }
0x30: {  	v22 =	vadd.f32 v35, v22;
	_ =	sdelay $0x1  }
0x31: {  	[tilespmem:v0+s18+$0x0] =	vst.idx.msk $0xffff, v22  }
0x32: {  	[tilespmem:v1+s18+$0x0] =	vst.idx.msk $0xffff, v20  }
0x33: {  	[tilespmem:v2+s18+$0x0] =	vst.idx.msk $0xffff, v33  }
0x34: {  	[tilespmem:v3+s18+$0x0] =	vst.idx.msk $0xffff, v24  }
0x35: {  	v20 =	vld [tilespmem:s25+$0x10]  }
0x36: {  	v21 =	vld [tilespmem:s25+$0x2790];
	_ =	sdelay $0x3  }
0x37: {  	v20 =	vshll.u32 v20, $0x2  }
0x38: {  	v21 =	vshll.u32 v21, $0x2  }
0x39: {  	v36 =	vor.u32 $0x1, v20  }
0x3a: {  	v37 =	vor.u32 $0x1, v21  }
0x3b: {  	v38 =	vor.u32 $0x2, v20  }
0x3c: {  	v39 =	vor.u32 $0x2, v21;
	v20 =	vld.idx.msk [tilespmem:v20+s14+$0x0], $0xffff  }
0x3d: {  	v21 =	vld.idx.msk [tilespmem:v21+s14+$0x0], $0xffff  }
0x3e: {  	v22 =	vld.idx.msk [tilespmem:v36+s14+$0x0], $0xffff  }
0x3f: {  	v23 =	vld.idx.msk [tilespmem:v37+s14+$0x0], $0xffff  }
0x40: {  	v24 =	vld.idx.msk [tilespmem:v38+s14+$0x0], $0xffff  }
0x41: {  	v25 =	vld.idx.msk [tilespmem:v39+s14+$0x0], $0xffff;
	_ =	sdelay $0x2  }
0x42: {  	v20 =	vsub.f32 v20, v21;
	v40 =	vsub.f32 v22, v23;
	_ =	sdelay $0x1  }
0x43: {  	v24 =	vsub.f32 v24, v25;
	v41 =	vmul.f32 v20, v20;
	v23 =	vmul.f32 v40, v40;
	_ =	sdelay $0x1  }
0x44: {  	v42 =	vmul.f32 v24, v24;
	v22 =	vadd.f32 v23, v41;
	_ =	sdelay $0x1  }
0x45: {  	v22 =	vadd.f32 v42, v22;
	_ =	sdelay $0x1  }
0x46: {  	[tilespmem:v4+s18+$0x0] =	vst.idx.msk $0xffff, v22  }
0x47: {  	[tilespmem:v5+s18+$0x0] =	vst.idx.msk $0xffff, v20  }
0x48: {  	[tilespmem:v6+s18+$0x0] =	vst.idx.msk $0xffff, v40  }
0x49: {  	[tilespmem:v7+s18+$0x0] =	vst.idx.msk $0xffff, v24  }
0x4a: {  	v20 =	vld [tilespmem:s25+$0x20]  }
0x4b: {  	v21 =	vld [tilespmem:s25+$0x27A0];
	_ =	sdelay $0x3  }
0x4c: {  	v20 =	vshll.u32 v20, $0x2  }
0x4d: {  	v21 =	vshll.u32 v21, $0x2  }
0x4e: {  	v43 =	vor.u32 $0x1, v20  }
0x4f: {  	v44 =	vor.u32 $0x1, v21  }
0x50: {  	v45 =	vor.u32 $0x2, v20  }
0x51: {  	v46 =	vor.u32 $0x2, v21;
	v20 =	vld.idx.msk [tilespmem:v20+s14+$0x0], $0xffff  }
0x52: {  	v21 =	vld.idx.msk [tilespmem:v21+s14+$0x0], $0xffff  }
0x53: {  	v22 =	vld.idx.msk [tilespmem:v43+s14+$0x0], $0xffff  }
0x54: {  	v23 =	vld.idx.msk [tilespmem:v44+s14+$0x0], $0xffff  }
0x55: {  	v24 =	vld.idx.msk [tilespmem:v45+s14+$0x0], $0xffff  }
0x56: {  	v25 =	vld.idx.msk [tilespmem:v46+s14+$0x0], $0xffff;
	_ =	sdelay $0x2  }
0x57: {  	v20 =	vsub.f32 v20, v21;
	v47 =	vsub.f32 v22, v23;
	_ =	sdelay $0x1  }
0x58: {  	v24 =	vsub.f32 v24, v25;
	v48 =	vmul.f32 v20, v20;
	v23 =	vmul.f32 v47, v47;
	_ =	sdelay $0x1  }
0x59: {  	v49 =	vmul.f32 v24, v24;
	v22 =	vadd.f32 v23, v48;
	_ =	sdelay $0x1  }
0x5a: {  	v22 =	vadd.f32 v49, v22;
	_ =	sdelay $0x1  }
0x5b: {  	[tilespmem:v8+s18+$0x0] =	vst.idx.msk $0xffff, v22  }
0x5c: {  	[tilespmem:v9+s18+$0x0] =	vst.idx.msk $0xffff, v20  }
0x5d: {  	[tilespmem:v10+s18+$0x0] =	vst.idx.msk $0xffff, v47  }
0x5e: {  	[tilespmem:v11+s18+$0x0] =	vst.idx.msk $0xffff, v24  }
0x5f: {  	v20 =	vld [tilespmem:s25+$0x30]  }
0x60: {  	v21 =	vld [tilespmem:s25+$0x27B0];
	_ =	sdelay $0x3  }
0x61: {  	v20 =	vshll.u32 v20, $0x2  }
0x62: {  	v21 =	vshll.u32 v21, $0x2  }
0x63: {  	v50 =	vor.u32 $0x1, v20  }
0x64: {  	v51 =	vor.u32 $0x1, v21  }
0x65: {  	v52 =	vor.u32 $0x2, v20  }
0x66: {  	v53 =	vor.u32 $0x2, v21;
	v20 =	vld.idx.msk [tilespmem:v20+s14+$0x0], $0xffff  }
0x67: {  	v21 =	vld.idx.msk [tilespmem:v21+s14+$0x0], $0xffff  }
0x68: {  	v22 =	vld.idx.msk [tilespmem:v50+s14+$0x0], $0xffff  }
0x69: {  	v23 =	vld.idx.msk [tilespmem:v51+s14+$0x0], $0xffff  }
0x6a: {  	v24 =	vld.idx.msk [tilespmem:v52+s14+$0x0], $0xffff  }
0x6b: {  	v25 =	vld.idx.msk [tilespmem:v53+s14+$0x0], $0xffff;
	_ =	sdelay $0x2  }
0x6c: {  	v20 =	vsub.f32 v20, v21;
	v54 =	vsub.f32 v22, v23;
	_ =	sdelay $0x1  }
0x6d: {  	v24 =	vsub.f32 v24, v25;
	v55 =	vmul.f32 v20, v20;
	v23 =	vmul.f32 v54, v54;
	_ =	sdelay $0x1  }
0x6e: {  	v56 =	vmul.f32 v24, v24;
	v22 =	vadd.f32 v23, v55;
	_ =	sdelay $0x1  }
0x6f: {  	v22 =	vadd.f32 v56, v22;
	_ =	sdelay $0x1  }
0x70: {  	[tilespmem:v12+s18+$0x0] =	vst.idx.msk $0xffff, v22  }
0x71: {  	[tilespmem:v13+s18+$0x0] =	vst.idx.msk $0xffff, v20  }
0x72: {  	[tilespmem:v14+s18+$0x0] =	vst.idx.msk $0xffff, v54  }
0x73: {  	[tilespmem:v15+s18+$0x0] =	vst.idx.msk $0xffff, v24  }
0x74: {  	v20 =	vld [tilespmem:s25+$0x40]  }
0x75: {  	v21 =	vld [tilespmem:s25+$0x27C0];
	_ =	sdelay $0x3  }
0x76: {  	v20 =	vshll.u32 v20, $0x2  }
0x77: {  	v21 =	vshll.u32 v21, $0x2  }
0x78: {  	v57 =	vor.u32 $0x1, v20  }
0x79: {  	v58 =	vor.u32 $0x1, v21  }
0x7a: {  	v59 =	vor.u32 $0x2, v20  }
0x7b: {  	v60 =	vor.u32 $0x2, v21;
	v20 =	vld.idx.msk [tilespmem:v20+s14+$0x0], $0xffff  }
0x7c: {  	v21 =	vld.idx.msk [tilespmem:v21+s14+$0x0], $0xffff  }
0x7d: {  	v22 =	vld.idx.msk [tilespmem:v57+s14+$0x0], $0xffff  }
0x7e: {  	v23 =	vld.idx.msk [tilespmem:v58+s14+$0x0], $0xffff  }
0x7f: {  	v24 =	vld.idx.msk [tilespmem:v59+s14+$0x0], $0xffff  }
0x80: {  	v25 =	vld.idx.msk [tilespmem:v60+s14+$0x0], $0xffff;
	_ =	sdelay $0x2  }
0x81: {  	v20 =	vsub.f32 v20, v21;
	v61 =	vsub.f32 v22, v23;
	_ =	sdelay $0x1  }
0x82: {  	v24 =	vsub.f32 v24, v25;
	v62 =	vmul.f32 v20, v20;
	v23 =	vmul.f32 v61, v61;
	_ =	sdelay $0x1  }
0x83: {  	v63 =	vmul.f32 v24, v24;
	v22 =	vadd.f32 v23, v62;
	_ =	sdelay $0x1  }
0x84: {  	v22 =	vadd.f32 v63, v22;
	_ =	sdelay $0x1  }
0x85: {  	[tilespmem:v16+s18+$0x0] =	vst.idx.msk $0xffff, v22  }
0x86: {  	[tilespmem:v17+s18+$0x0] =	vst.idx.msk $0xffff, v20  }
0x87: {  	[tilespmem:v18+s18+$0x0] =	vst.idx.msk $0xffff, v61  }
0x88: {  	[tilespmem:v19+s18+$0x0] =	vst.idx.msk $0xffff, v24  }
0x89: {  	_ =	swait.ge [sflag:s19], $0x2800  }
0x8a: {  	[sflag:s19] =	ssyncset.done $0x0  }
0x8b: {  	[sflag:s19] =	ssyncadd.s32 $0xFFFFD800  }
0x8c: {  	_ =	swait.ge [sflag:s19], $0x2800  }
0x8d: {  	[sflag:s19] =	ssyncset.done $0x0  }
0x8e: {  	[sflag:s19] =	ssyncadd.s32 $0xFFFFD800  }
0x8f: {  	[hbm4b:s22+s3] =	stream.linear.scatter [tilespmem:s16], [sflag:$0x2], $0x2800, $0x38;
	[tilespmem:$0x13D00] =	vst v63  }
0x90: {  	_ =	swait.ge [sflag:s12], $0x2800  }
0x91: {  	[sflag:s12] =	ssyncset.done $0x0  }
0x92: {  	[sflag:s12] =	ssyncadd.s32 $0xFFFFD800  }
0x93: {  	[hbm4b:s21+s3] =	stream.linear.scatter [tilespmem:s17], [sflag:$0x2], $0x2800, $0x38;
	[tilespmem:$0x13D00] =	vst v63  }
0x94: {  	_ =	swait.ge [sflag:s12], $0x2800  }
0x95: {  	p0 =	sne.s32 s24, $0x9B00;
	[sflag:s12] =	ssyncset.done $0x0  }
.Ltmp0:
0x96: {  	[sflag:s12] =	ssyncadd.s32 $0xFFFFD800;
	(pc) =	sbr.rel @p0 .LBB2_2-.Ltmp0, $4  }
0x97: {  	[hbm4b:s23+s3] =	stream.linear.scatter [tilespmem:s18], [sflag:$0x2], $0x140, $0x38;
	[tilespmem:$0x13D00] =	vst v63  }
0x98: {  	_ =	swait.ge [sflag:s12], $0x140  }
0x99: {  	s24 =	sadd.s32 $0x140, s24;
	s22 =	sadd.s32 $0x500, s22;
	[sflag:s12] =	ssyncset.done $0x0  }
0x9a: {  	s21 =	sadd.s32 $0x500, s21;
	s23 =	sadd.s32 $0x28, s23;
	[sflag:s12] =	ssyncadd.s32 $0xFFFFFEC0  }
0x9b: {  	s20 =	sadd.s32 $0x1, s20  }
0x9c: {  	p0 =	sne.s32 s20, s9  }
.Ltmp1:
0x9d: {  	_ = 	snop;
	(pc) =	sbr.rel @p0 .LBB2_1-.Ltmp1, $1  }
0x9e: {  	_ =	sdelay $0x3  }
0x9f: {  	_ =	sfence.sel $0x180000  }
0xa0: {  	[bflag:$0x0] =	sbarrier.arrive $0xFFFF  }
0xa1: {  	p0 =	sne.s32 s0, $0x0;
	_ =	strace $0x90000047  }
0xa2: {  	s0 =	sadd.s32 @!p0 $0x100000, s1;
	[bflag:$0x2] =	sbarrier.arrive $0xFFFF  }
0xa3: {  	[sflag:s0] =	ssyncadd.tile.s32 @!p0 $0x1;
	_ =	shalt  }
.Lfunc_end2:
_tile_overlayer_lowered:
.L_overlay_start_2:
0xa4: {  	(tag) =	ssettag $0x2  }
0xa5: {  	s0 =	rddreg [dreg:$0x0];
	s2 =	stileid.u32  }
0xa6: {  	s1 =	rddreg [dreg:$0x1];
	p0 =	sne.s32 s2, $0x0  }
0xa7: {  	s3 =	rddreg [dreg:$0x2];
	[bflag:$0x3] =	sbarrier.arrive $0xFFFF;
	s2 =	simm.s32 @!p0 $0x1C02  }
0xa8: {  	[timem:s3], [sflag:s2] =	dma.local @!p0 [hbm:s0], s1  }
0xa9: {  	s0 =	simm.s32 @!p0 $0x2  }
0xaa: {  	_ =	swait.ge @!p0 [sflag:s0], s1  }
0xab: {  	s1 =	ssub.s32 @!p0 $0x0, s1;
	[sflag:s0] =	ssyncset.done @!p0 $0x0  }
0xac: {  	[sflag:s0] =	ssyncadd.s32 @!p0 s1  }
0xad: {  	[bflag:$0x3] =	sbarrier.arrive $0xFFFF  }
0xae: {  	_ =	shalt  }

</sc_bundles>
